<compile_context>
chip_gen: v7x
topology: tpu7x:2x2x1
jax: 0.10.2.dev20260603
libtpu: 0.0.44.dev20260713+nightly
codegen_flags: <defaults>
</compile_context>

<pallas_src>
import jax
import jax.numpy as jnp
from jax import lax
from jax.experimental import pallas as pl
from jax.experimental.pallas import tpu as pltpu
from jax.experimental.pallas import tpu_sc as plsc

_B, _D, _N = 4, 256, 2048
_LN, _KK, _TK = 512, 32, 16
_WSCALE = 8388608.0
_WHALF = 4194304



def _prep_body(la_ref, fpsr_ref, fpsb_ref,
               tkv_ref, tki_ref, cnt_ref, start_ref, order_ref):
    la = la_ref[0]
    jj = lax.broadcasted_iota(jnp.int32, (_LN, _LN), 1)
    ii = lax.broadcasted_iota(jnp.int32, (_LN, _LN), 0)

    w = (la * _WSCALE).astype(jnp.int32)
    p = ((w - _WHALF) << 9) | (511 - jj)
    tkvs, tkis = [], []
    for _ in range(_TK):
        m = jnp.max(p, axis=1, keepdims=True)
        col = 511 - (m & 511)
        wv = (m >> 9) + _WHALF
        tkvs.append(wv.astype(jnp.float32) * (1.0 / _WSCALE))
        tkis.append(col)
        p = jnp.where(p == m, jnp.int32(-2147483647 - 1), p)
    tkv_ref[0] = jnp.concatenate(tkvs, axis=1)
    tki_ref[0] = jnp.concatenate(tkis, axis=1)

    fps_r = fpsr_ref[0]
    fps_c = fpsb_ref[0][:, 0:1]
    e = fps_c == fps_r
    big = jnp.int32(_LN)
    slot_c = jnp.min(jnp.where(e, jj, big), axis=1, keepdims=True)
    slot_r = jnp.min(jnp.where(e, ii, big), axis=0, keepdims=True)
    one = jnp.int32(1)
    zero = jnp.int32(0)
    rank_c = jnp.sum(jnp.where(e & (jj < ii), one, zero), axis=1, keepdims=True)
    pos1_c = jnp.sum(jnp.where(slot_r < slot_c, one, zero), axis=1, keepdims=True)
    pos_c = pos1_c + rank_c
    cnt_ref[0] = jnp.sum(jnp.where(slot_c == jj, one, zero), axis=0, keepdims=True)
    start_ref[0] = jnp.sum(jnp.where(slot_c < jj, one, zero), axis=0, keepdims=True)
    order_ref[0] = jnp.sum(jnp.where(pos_c == jj, ii, zero), axis=0, keepdims=True)


def _run_prep(low_attention, fps_row, fps_bc):
    return pl.pallas_call(
        _prep_body,
        grid=(_B,),
        in_specs=[
            pl.BlockSpec((1, _LN, _LN), lambda b: (b, 0, 0)),
            pl.BlockSpec((1, 1, _LN), lambda b: (b, 0, 0)),
            pl.BlockSpec((1, _LN, 128), lambda b: (b, 0, 0)),
        ],
        out_specs=[
            pl.BlockSpec((1, _LN, _TK), lambda b: (b, 0, 0)),
            pl.BlockSpec((1, _LN, _TK), lambda b: (b, 0, 0)),
            pl.BlockSpec((1, 1, _LN), lambda b: (b, 0, 0)),
            pl.BlockSpec((1, 1, _LN), lambda b: (b, 0, 0)),
            pl.BlockSpec((1, 1, _LN), lambda b: (b, 0, 0)),
        ],
        out_shape=[
            jax.ShapeDtypeStruct((_B, _LN, _TK), jnp.float32),
            jax.ShapeDtypeStruct((_B, _LN, _TK), jnp.int32),
            jax.ShapeDtypeStruct((_B, 1, _LN), jnp.int32),
            jax.ShapeDtypeStruct((_B, 1, _LN), jnp.int32),
            jax.ShapeDtypeStruct((_B, 1, _LN), jnp.int32),
        ],
    )(low_attention, fps_row, fps_bc)



def _sread(ref, idx):
    return ref[pl.ds(idx, 16)][0]


def _scatter_body(fps_hbm, knn_hbm, tki_hbm, tkv_hbm, cnt_hbm, start_hbm,
                  order_hbm, m_hbm,
                  fps_v, knn_v, tki_v, tkv_v, cnt_v, start_v, order_v,
                  rowbuf):
    cid = lax.axis_index("c")
    sid = lax.axis_index("s")
    wid = cid * 16 + sid
    b = wid // 8
    r0 = (wid % 8) * 64

    pltpu.sync_copy(fps_hbm.at[b], fps_v)
    pltpu.sync_copy(knn_hbm.at[b], knn_v)
    pltpu.sync_copy(tki_hbm.at[b], tki_v)
    pltpu.sync_copy(tkv_hbm.at[b], tkv_v)
    pltpu.sync_copy(cnt_hbm.at[b], cnt_v.at[pl.ds(0, _LN)])
    pltpu.sync_copy(start_hbm.at[b], start_v.at[pl.ds(0, _LN)])
    pltpu.sync_copy(order_hbm.at[b], order_v.at[pl.ds(0, _LN)])

    iota = lax.iota(jnp.int32, 16)
    zero16 = jnp.zeros((16,), jnp.float32)

    def zb(k, carry):
        rowbuf[pl.ds(k * 16, 16)] = zero16
        return carry
    lax.fori_loop(0, _N // 16, zb, 0)

    def _cols_of(i):
        base = i * _TK
        tkrow = plsc.load_gather(tki_v, [base + iota])
        cols1 = plsc.load_gather(fps_v, [tkrow])
        cols2 = plsc.load_gather(knn_v, [tkrow * _KK + iota])
        return base, cols1, cols2

    def row_body(r, carry):
        srow = r0 + r
        ccnt = _sread(cnt_v, srow)
        cst = _sread(start_v, srow)

        def inner(k, c2):
            i = _sread(order_v, cst + k)
            base, cols1, cols2 = _cols_of(i)
            vals = plsc.load_gather(tkv_v, [base + iota])
            plsc.store_scatter(rowbuf, [cols1], vals)
            plsc.store_scatter(rowbuf, [cols2], vals)
            return c2
        lax.fori_loop(0, ccnt, inner, 0)
        pltpu.sync_copy(rowbuf, m_hbm.at[b, srow])

        def wipe(k, c2):
            i = _sread(order_v, cst + k)
            _, cols1, cols2 = _cols_of(i)
            plsc.store_scatter(rowbuf, [cols1], zero16)
            plsc.store_scatter(rowbuf, [cols2], zero16)
            return c2
        lax.fori_loop(0, ccnt, wipe, 0)
        return carry
    lax.fori_loop(0, 64, row_body, 0)


def _run_scatter(fps, knn_flat, tki_flat, tkv_flat, cnt, start, order):
    mesh = plsc.VectorSubcoreMesh(core_axis_name="c", subcore_axis_name="s")
    f = pl.kernel(
        _scatter_body,
        out_type=jax.ShapeDtypeStruct((_B, _LN, _N), jnp.float32),
        mesh=mesh,
        compiler_params=pltpu.CompilerParams(needs_layout_passes=False),
        scratch_types=[
            pltpu.VMEM((_LN,), jnp.int32),
            pltpu.VMEM((_LN * _KK,), jnp.int32),
            pltpu.VMEM((_LN * _TK,), jnp.int32),
            pltpu.VMEM((_LN * _TK,), jnp.float32),
            pltpu.VMEM((_LN + 16,), jnp.int32),
            pltpu.VMEM((_LN + 16,), jnp.int32),
            pltpu.VMEM((_LN + 16,), jnp.int32),
            pltpu.VMEM((_N,), jnp.float32),
        ],
    )
    return f(fps, knn_flat, tki_flat, tkv_flat, cnt, start, order)



def _cd_body(x_ref, m_ref, fpsr_ref, wv_ref, bv_ref, wt_ref, bt_ref,
             gam_ref, bet_ref, o_ref, t_scr, stats_scr):
    p = pl.program_id(0)
    b = pl.program_id(1)

    @pl.when(p == 0)
    def _():
        xb = x_ref[0]
        fps_r = fpsr_ref[0]
        n_iota = lax.broadcasted_iota(jnp.int32, (_N, _LN), 0)
        s_hot = (n_iota == fps_r).astype(jnp.float32)
        xg = jnp.dot(xb, s_hot, preferred_element_type=jnp.float32)
        g = jnp.dot(wv_ref[...], xg, preferred_element_type=jnp.float32)
        g = g + bv_ref[...][:, 0:1]
        xr = jnp.dot(g, m_ref[0], preferred_element_type=jnp.float32)
        tt = jnp.dot(wt_ref[...], xb - xr, preferred_element_type=jnp.float32)
        tt = tt + bt_ref[...][:, 0:1]
        t_scr[b] = tt
        s1 = jnp.sum(tt, axis=1, keepdims=True)
        s2 = jnp.sum(tt * tt, axis=1, keepdims=True)
        st = jnp.concatenate([s1, s2] + [s1 * 0.0] * 6, axis=1)

        @pl.when(b == 0)
        def _():
            stats_scr[...] = st

        @pl.when(b > 0)
        def _():
            stats_scr[...] = stats_scr[...] + st

        o_ref[0] = xb

    @pl.when(p == 1)
    def _():
        stats = stats_scr[...]
        inv_n = 1.0 / (_B * _N)
        mean = stats[:, 0:1] * inv_n
        var = stats[:, 1:2] * inv_n - mean * mean
        inv = lax.rsqrt(var + 1e-5)
        ga = gam_ref[...][:, 0:1]
        be = bet_ref[...][:, 0:1]
        tt = t_scr[b]
        o_ref[0] = x_ref[0] + jnp.maximum(ga * ((tt - mean) * inv) + be, 0.0)


def _run_cd(x, m, fps_row, wv, bv2, wt, bt2, gamma2, beta2):
    return pl.pallas_call(
        _cd_body,
        grid=(2, _B),
        in_specs=[
            pl.BlockSpec((1, _D, _N), lambda p, b: (b, 0, 0)),
            pl.BlockSpec((1, _LN, _N), lambda p, b: ((1 - p) * b + p * (_B - 1), 0, 0)),
            pl.BlockSpec((1, 1, _LN), lambda p, b: ((1 - p) * b + p * (_B - 1), 0, 0)),
            pl.BlockSpec((_D, _D), lambda p, b: (0, 0)),
            pl.BlockSpec((_D, 128), lambda p, b: (0, 0)),
            pl.BlockSpec((_D, _D), lambda p, b: (0, 0)),
            pl.BlockSpec((_D, 128), lambda p, b: (0, 0)),
            pl.BlockSpec((_D, 128), lambda p, b: (0, 0)),
            pl.BlockSpec((_D, 128), lambda p, b: (0, 0)),
        ],
        out_specs=pl.BlockSpec((1, _D, _N), lambda p, b: (b, 0, 0)),
        out_shape=jax.ShapeDtypeStruct((_B, _D, _N), jnp.float32),
        scratch_shapes=[
            pltpu.VMEM((_B, _D, _N), jnp.float32),
            pltpu.VMEM((_D, 8), jnp.float32),
        ],
    )(x, m, fps_row, wv, bv2, wt, bt2, gamma2, beta2)



def kernel(x, low_attention, fps_idx, knn_idx, Wv, bv, Wt, bt, gamma, beta):
    fps = fps_idx.astype(jnp.int32)
    knn = knn_idx.astype(jnp.int32)
    fps_row = fps.reshape(_B, 1, _LN)
    fps_bc = jnp.broadcast_to(fps[:, :, None], (_B, _LN, 128))

    tkv, tki, cnt, start, order = _run_prep(low_attention, fps_row, fps_bc)

    m = _run_scatter(
        fps,
        knn.reshape(_B, _LN * _KK),
        tki.reshape(_B, _LN * _TK),
        tkv.reshape(_B, _LN * _TK),
        cnt.reshape(_B, _LN),
        start.reshape(_B, _LN),
        order.reshape(_B, _LN),
    )

    bv2 = jnp.broadcast_to(bv[:, None], (_D, 128))
    bt2 = jnp.broadcast_to(bt[:, None], (_D, 128))
    gamma2 = jnp.broadcast_to(gamma[:, None], (_D, 128))
    beta2 = jnp.broadcast_to(beta[:, None], (_D, 128))

    return _run_cd(x, m, fps_row, Wv, bv2, Wt, bt2, gamma2, beta2)

# --- scband reference (transcript-rebuilt; emitter-appended) ---
"""Pipeline reference for scband-full-attention-7533372638049 (READ-ONLY COPY).

The authoritative reference and input builder live on the scoring server;
editing this copy changes nothing except your own understanding.
"""

import jax, jax.numpy as jnp
import numpy as np

B, D, N = 4, 256, 2048
LOW_N, KNN_K, TOPK = 512, 32, 16


def setup_inputs(seed: int = 0) -> dict:
    key = jax.random.key(seed)
    ks = jax.random.split(key, 8)
    x = jax.random.normal(ks[0], (B, D, N), dtype=jnp.float32)
    low_attention = jax.random.uniform(ks[1], (B, LOW_N, LOW_N), dtype=jnp.float32)
    fps_idx = jax.random.randint(ks[2], (B, LOW_N), 0, N, dtype=jnp.int64 if jax.config.jax_enable_x64 else jnp.int32)
    knn_idx = jax.random.randint(ks[3], (B, LOW_N, KNN_K), 0, N, dtype=jnp.int64 if jax.config.jax_enable_x64 else jnp.int32)
    Wv = jax.random.normal(ks[4], (D, D), dtype=jnp.float32) * 0.02
    bv = jnp.zeros((D,), dtype=jnp.float32)
    Wt = jax.random.normal(ks[5], (D, D), dtype=jnp.float32) * 0.02
    bt = jnp.zeros((D,), dtype=jnp.float32)
    gamma = jnp.ones((D,), dtype=jnp.float32)
    beta = jnp.zeros((D,), dtype=jnp.float32)
    return {"x": x, "low_attention": low_attention, "fps_idx": fps_idx, "knn_idx": knn_idx,
            "Wv": Wv, "bv": bv, "Wt": Wt, "bt": bt, "gamma": gamma, "beta": beta}


def _forward(x, low_attention, Wv, bv, Wt, bt, gamma, beta, fps_idx, knn_idx):
    Bb, Dd, Nn = x.shape
    low_n = low_attention.shape[1]
    Kk = knn_idx.shape[-1]
    # v_conv: 1x1 conv = pointwise linear over channel dim
    x_v = jnp.einsum('oi,bin->bon', Wv, x) + bv[None, :, None]
    # top-k over last dim of low_attention
    topk_values, topk_indices = jax.lax.top_k(low_attention, TOPK)
    # expanded_fps_idx: [B, low_n, TOPK]
    expanded_fps_idx = jnp.broadcast_to(fps_idx[:, :, None], (Bb, low_n, TOPK))
    # torch.gather(expanded_fps_idx, 1, topk_indices)
    global_topk_indices = jnp.take_along_axis(expanded_fps_idx, topk_indices, axis=1)
    attention1 = jnp.zeros((Bb, Nn, Nn), dtype=x.dtype)
    bidx = jnp.arange(Bb)[:, None, None]
    attention1 = attention1.at[bidx, expanded_fps_idx, global_topk_indices].set(topk_values)
    # torch.gather(knn_idx, 1, topk_indices): out[b,i,j] = knn_idx[b, topk_indices[b,i,j], j]
    jidx = jnp.arange(TOPK)[None, None, :]
    knn_indices = knn_idx[bidx, topk_indices, jidx]
    # expand everything to [B, low_n, TOPK, Kk] and scatter-overwrite
    bidx4 = jnp.broadcast_to(jnp.arange(Bb)[:, None, None, None], (Bb, low_n, TOPK, Kk))
    fps4 = jnp.broadcast_to(expanded_fps_idx[:, :, :, None], (Bb, low_n, TOPK, Kk))
    knn4 = jnp.broadcast_to(knn_indices[:, :, :, None], (Bb, low_n, TOPK, Kk))
    vals4 = jnp.broadcast_to(topk_values[:, :, :, None], (Bb, low_n, TOPK, Kk))
    attention1 = attention1.at[bidx4, fps4, knn4].set(vals4)
    # x_r = bmm(x_v, attention1)
    x_r = jnp.einsum('bdn,bnm->bdm', x_v, attention1)
    # trans_conv (1x1 conv) on (x - x_r)
    t = jnp.einsum('oi,bin->bon', Wt, x - x_r) + bt[None, :, None]
    # BatchNorm1d in training mode: stats over (B, N) per channel, biased var
    mean = jnp.mean(t, axis=(0, 2), keepdims=True)
    var = jnp.var(t, axis=(0, 2), keepdims=True)
    t_hat = (t - mean) / jnp.sqrt(var + 1e-5)
    t_bn = gamma[None, :, None] * t_hat + beta[None, :, None]
    x_r2 = jax.nn.relu(t_bn)
    return x + x_r2


def reference(x, low_attention, fps_idx, knn_idx, Wv, bv, Wt, bt, gamma, beta):
    return _forward(x, low_attention, Wv, bv, Wt, bt, gamma, beta, fps_idx, knn_idx)

if __name__ == "__main__":
    import jax
    _d = setup_inputs()
    print(jax.jit(kernel)(*tuple(_d.values())))

</pallas_src>

<mosaic_0001>
#map = affine_map<(d0, d1) -> (0, 0)>
#map1 = affine_map<(d0, d1) -> (0, 0, 0)>
module attributes {stable_mosaic.version = 14 : i64} {
  func.func @_scatter_body(%arg0: i32, %arg1: i32, %arg2: memref<4x512xi32, #tpu.memory_space<hbm>>, %arg3: memref<4x16384xi32, #tpu.memory_space<hbm>>, %arg4: memref<4x8192xi32, #tpu.memory_space<hbm>>, %arg5: memref<4x8192xf32, #tpu.memory_space<hbm>>, %arg6: memref<4x512xi32, #tpu.memory_space<hbm>>, %arg7: memref<4x512xi32, #tpu.memory_space<hbm>>, %arg8: memref<4x512xi32, #tpu.memory_space<hbm>>, %arg9: memref<4x512x2048xf32, #tpu.memory_space<hbm>>, %arg10: memref<512xi32, #tpu.memory_space<vmem>>, %arg11: memref<16384xi32, #tpu.memory_space<vmem>>, %arg12: memref<8192xi32, #tpu.memory_space<vmem>>, %arg13: memref<8192xf32, #tpu.memory_space<vmem>>, %arg14: memref<528xi32, #tpu.memory_space<vmem>>, %arg15: memref<528xi32, #tpu.memory_space<vmem>>, %arg16: memref<528xi32, #tpu.memory_space<vmem>>, %arg17: memref<2048xf32, #tpu.memory_space<vmem>>) attributes {dimension_semantics = [#tpu.dimension_semantics<core_parallel>, #tpu.dimension_semantics<subcore_parallel>], iteration_bounds = array<i64: 2, 16>, scalar_prefetch = 0 : i64, scratch_operands = 8 : i64, tpu.core_type = #tpu.core_type<sc_vector_subcore>, window_params = [{transform_indices = #map}, {transform_indices = #map}, {transform_indices = #map}, {transform_indices = #map}, {transform_indices = #map}, {transform_indices = #map}, {transform_indices = #map}, {transform_indices = #map1}]} {
    %mul3A = arith.constant 16 : i32
    %mul3A_0 = arith.muli %arg0, %mul3A : i32
    %add3A = arith.addi %mul3A_0, %arg1 : i32
    %jit3A = arith.constant 8 : i32
    %div3A = arith.divsi %add3A, %jit3A : i32
    %sign3A = arith.constant 0 : i32
    %sign3A_1 = arith.cmpi sgt, %add3A, %sign3A : i32
    %sign3A_2 = arith.extui %sign3A_1 : i1 to i32
    %sign3A_3 = arith.constant 0 : i32
    %sign3A_4 = arith.cmpi slt, %add3A, %sign3A_3 : i32
    %sign3A_5 = arith.extui %sign3A_4 : i1 to i32
    %sign3A_6 = arith.subi %sign3A_2, %sign3A_5 : i32
    %sign3A_7 = arith.constant 0 : i32
    %sign3A_8 = arith.cmpi sgt, %jit3A, %sign3A_7 : i32
    %sign3A_9 = arith.extui %sign3A_8 : i1 to i32
    %sign3A_10 = arith.constant 0 : i32
    %sign3A_11 = arith.cmpi slt, %jit3A, %sign3A_10 : i32
    %sign3A_12 = arith.extui %sign3A_11 : i1 to i32
    %sign3A_13 = arith.subi %sign3A_9, %sign3A_12 : i32
    %ne3A = arith.cmpi ne, %sign3A_6, %sign3A_13 : i32
    %rem3A = arith.remsi %add3A, %jit3A : i32
    %ne3A_14 = arith.constant 0 : i32
    %ne3A_15 = arith.cmpi ne, %rem3A, %ne3A_14 : i32
    %and3A = arith.andi %ne3A, %ne3A_15 : i1
    %sub3A = arith.constant 1 : i32
    %sub3A_16 = arith.subi %div3A, %sub3A : i32
    %select_n3A = arith.select %and3A, %sub3A_16, %div3A : i32
    %jit3A_17 = arith.constant 8 : i32
    %eq3A = arith.constant 0 : i32
    %eq3A_18 = arith.cmpi eq, %jit3A_17, %eq3A : i32
    %jit3A_19 = arith.constant 1 : i32
    %select_n3A_20 = arith.select %eq3A_18, %jit3A_19, %jit3A_17 : i32
    %rem3A_21 = arith.remsi %add3A, %select_n3A_20 : i32
    %ne3A_22 = arith.constant 0 : i32
    %ne3A_23 = arith.cmpi ne, %rem3A_21, %ne3A_22 : i32
    %lt3A = arith.constant 0 : i32
    %lt3A_24 = arith.cmpi slt, %rem3A_21, %lt3A : i32
    %lt3A_25 = arith.constant 0 : i32
    %lt3A_26 = arith.cmpi slt, %select_n3A_20, %lt3A_25 : i32
    %ne3A_27 = arith.xori %lt3A_24, %lt3A_26 : i1
    %and3A_28 = arith.andi %ne3A_27, %ne3A_23 : i1
    %add3A_29 = arith.addi %rem3A_21, %select_n3A_20 : i32
    %select_n3A_30 = arith.select %and3A_28, %add3A_29, %rem3A_21 : i32
    %mul3A_31 = arith.constant 64 : i32
    %mul3A_32 = arith.muli %select_n3A_30, %mul3A_31 : i32
    "tpu.region"() ({
      %run_scoped3A = tpu.sem_alloc : memref<!tpu.dma_semaphore, #tpu.memory_space<semaphore_mem>>
      %dma_start3A = arith.constant 0 : i32
      %dma_start3A_45 = tpu.memref_slice %arg2[%select_n3A, %dma_start3A] : memref<4x512xi32, #tpu.memory_space<hbm>> -> memref<1x512xi32, #tpu.memory_space<hbm>>
      %dma_start3A_46 = tpu.memref_squeeze %dma_start3A_45 : memref<1x512xi32, #tpu.memory_space<hbm>> -> memref<512xi32, #tpu.memory_space<hbm>>
      %dma_start3A_47 = arith.constant 0 : i32
      %dma_start3A_48 = tpu.memref_slice %arg2[%select_n3A, %dma_start3A_47] : memref<4x512xi32, #tpu.memory_space<hbm>> -> memref<1x512xi32, #tpu.memory_space<hbm>>
      %dma_start3A_49 = tpu.memref_squeeze %dma_start3A_48 : memref<1x512xi32, #tpu.memory_space<hbm>> -> memref<512xi32, #tpu.memory_space<hbm>>
      tpu.enqueue_dma source(%dma_start3A_49 : memref<512xi32, #tpu.memory_space<hbm>>) target(%arg10 : memref<512xi32, #tpu.memory_space<vmem>>) target_semaphore(%run_scoped3A : memref<!tpu.dma_semaphore, #tpu.memory_space<semaphore_mem>>)
      %dma_wait3A = arith.constant 0 : i32
      %dma_wait3A_50 = tpu.memref_slice %arg2[%select_n3A, %dma_wait3A] : memref<4x512xi32, #tpu.memory_space<hbm>> -> memref<1x512xi32, #tpu.memory_space<hbm>>
      %dma_wait3A_51 = tpu.memref_squeeze %dma_wait3A_50 : memref<1x512xi32, #tpu.memory_space<hbm>> -> memref<512xi32, #tpu.memory_space<hbm>>
      %dma_wait3A_52 = arith.constant 0 : i32
      %dma_wait3A_53 = tpu.memref_slice %arg2[%select_n3A, %dma_wait3A_52] : memref<4x512xi32, #tpu.memory_space<hbm>> -> memref<1x512xi32, #tpu.memory_space<hbm>>
      %dma_wait3A_54 = tpu.memref_squeeze %dma_wait3A_53 : memref<1x512xi32, #tpu.memory_space<hbm>> -> memref<512xi32, #tpu.memory_space<hbm>>
      tpu.wait_dma2 semaphore(%run_scoped3A : memref<!tpu.dma_semaphore, #tpu.memory_space<semaphore_mem>>) src(%dma_wait3A_54 : memref<512xi32, #tpu.memory_space<hbm>>) dst(%arg10 : memref<512xi32, #tpu.memory_space<vmem>>)
      tpu.yield
    }) : () -> ()
    "tpu.region"() ({
      %run_scoped3A = tpu.sem_alloc : memref<!tpu.dma_semaphore, #tpu.memory_space<semaphore_mem>>
      %dma_start3A = arith.constant 0 : i32
      %dma_start3A_45 = tpu.memref_slice %arg3[%select_n3A, %dma_start3A] : memref<4x16384xi32, #tpu.memory_space<hbm>> -> memref<1x16384xi32, #tpu.memory_space<hbm>>
      %dma_start3A_46 = tpu.memref_squeeze %dma_start3A_45 : memref<1x16384xi32, #tpu.memory_space<hbm>> -> memref<16384xi32, #tpu.memory_space<hbm>>
      %dma_start3A_47 = arith.constant 0 : i32
      %dma_start3A_48 = tpu.memref_slice %arg3[%select_n3A, %dma_start3A_47] : memref<4x16384xi32, #tpu.memory_space<hbm>> -> memref<1x16384xi32, #tpu.memory_space<hbm>>
      %dma_start3A_49 = tpu.memref_squeeze %dma_start3A_48 : memref<1x16384xi32, #tpu.memory_space<hbm>> -> memref<16384xi32, #tpu.memory_space<hbm>>
      tpu.enqueue_dma source(%dma_start3A_49 : memref<16384xi32, #tpu.memory_space<hbm>>) target(%arg11 : memref<16384xi32, #tpu.memory_space<vmem>>) target_semaphore(%run_scoped3A : memref<!tpu.dma_semaphore, #tpu.memory_space<semaphore_mem>>)
      %dma_wait3A = arith.constant 0 : i32
      %dma_wait3A_50 = tpu.memref_slice %arg3[%select_n3A, %dma_wait3A] : memref<4x16384xi32, #tpu.memory_space<hbm>> -> memref<1x16384xi32, #tpu.memory_space<hbm>>
      %dma_wait3A_51 = tpu.memref_squeeze %dma_wait3A_50 : memref<1x16384xi32, #tpu.memory_space<hbm>> -> memref<16384xi32, #tpu.memory_space<hbm>>
      %dma_wait3A_52 = arith.constant 0 : i32
      %dma_wait3A_53 = tpu.memref_slice %arg3[%select_n3A, %dma_wait3A_52] : memref<4x16384xi32, #tpu.memory_space<hbm>> -> memref<1x16384xi32, #tpu.memory_space<hbm>>
      %dma_wait3A_54 = tpu.memref_squeeze %dma_wait3A_53 : memref<1x16384xi32, #tpu.memory_space<hbm>> -> memref<16384xi32, #tpu.memory_space<hbm>>
      tpu.wait_dma2 semaphore(%run_scoped3A : memref<!tpu.dma_semaphore, #tpu.memory_space<semaphore_mem>>) src(%dma_wait3A_54 : memref<16384xi32, #tpu.memory_space<hbm>>) dst(%arg11 : memref<16384xi32, #tpu.memory_space<vmem>>)
      tpu.yield
    }) : () -> ()
    "tpu.region"() ({
      %run_scoped3A = tpu.sem_alloc : memref<!tpu.dma_semaphore, #tpu.memory_space<semaphore_mem>>
      %dma_start3A = arith.constant 0 : i32
      %dma_start3A_45 = tpu.memref_slice %arg4[%select_n3A, %dma_start3A] : memref<4x8192xi32, #tpu.memory_space<hbm>> -> memref<1x8192xi32, #tpu.memory_space<hbm>>
      %dma_start3A_46 = tpu.memref_squeeze %dma_start3A_45 : memref<1x8192xi32, #tpu.memory_space<hbm>> -> memref<8192xi32, #tpu.memory_space<hbm>>
      %dma_start3A_47 = arith.constant 0 : i32
      %dma_start3A_48 = tpu.memref_slice %arg4[%select_n3A, %dma_start3A_47] : memref<4x8192xi32, #tpu.memory_space<hbm>> -> memref<1x8192xi32, #tpu.memory_space<hbm>>
      %dma_start3A_49 = tpu.memref_squeeze %dma_start3A_48 : memref<1x8192xi32, #tpu.memory_space<hbm>> -> memref<8192xi32, #tpu.memory_space<hbm>>
      tpu.enqueue_dma source(%dma_start3A_49 : memref<8192xi32, #tpu.memory_space<hbm>>) target(%arg12 : memref<8192xi32, #tpu.memory_space<vmem>>) target_semaphore(%run_scoped3A : memref<!tpu.dma_semaphore, #tpu.memory_space<semaphore_mem>>)
      %dma_wait3A = arith.constant 0 : i32
      %dma_wait3A_50 = tpu.memref_slice %arg4[%select_n3A, %dma_wait3A] : memref<4x8192xi32, #tpu.memory_space<hbm>> -> memref<1x8192xi32, #tpu.memory_space<hbm>>
      %dma_wait3A_51 = tpu.memref_squeeze %dma_wait3A_50 : memref<1x8192xi32, #tpu.memory_space<hbm>> -> memref<8192xi32, #tpu.memory_space<hbm>>
      %dma_wait3A_52 = arith.constant 0 : i32
      %dma_wait3A_53 = tpu.memref_slice %arg4[%select_n3A, %dma_wait3A_52] : memref<4x8192xi32, #tpu.memory_space<hbm>> -> memref<1x8192xi32, #tpu.memory_space<hbm>>
      %dma_wait3A_54 = tpu.memref_squeeze %dma_wait3A_53 : memref<1x8192xi32, #tpu.memory_space<hbm>> -> memref<8192xi32, #tpu.memory_space<hbm>>
      tpu.wait_dma2 semaphore(%run_scoped3A : memref<!tpu.dma_semaphore, #tpu.memory_space<semaphore_mem>>) src(%dma_wait3A_54 : memref<8192xi32, #tpu.memory_space<hbm>>) dst(%arg12 : memref<8192xi32, #tpu.memory_space<vmem>>)
      tpu.yield
    }) : () -> ()
    "tpu.region"() ({
      %run_scoped3A = tpu.sem_alloc : memref<!tpu.dma_semaphore, #tpu.memory_space<semaphore_mem>>
      %dma_start3A = arith.constant 0 : i32
      %dma_start3A_45 = tpu.memref_slice %arg5[%select_n3A, %dma_start3A] : memref<4x8192xf32, #tpu.memory_space<hbm>> -> memref<1x8192xf32, #tpu.memory_space<hbm>>
      %dma_start3A_46 = tpu.memref_squeeze %dma_start3A_45 : memref<1x8192xf32, #tpu.memory_space<hbm>> -> memref<8192xf32, #tpu.memory_space<hbm>>
      %dma_start3A_47 = arith.constant 0 : i32
      %dma_start3A_48 = tpu.memref_slice %arg5[%select_n3A, %dma_start3A_47] : memref<4x8192xf32, #tpu.memory_space<hbm>> -> memref<1x8192xf32, #tpu.memory_space<hbm>>
      %dma_start3A_49 = tpu.memref_squeeze %dma_start3A_48 : memref<1x8192xf32, #tpu.memory_space<hbm>> -> memref<8192xf32, #tpu.memory_space<hbm>>
      tpu.enqueue_dma source(%dma_start3A_49 : memref<8192xf32, #tpu.memory_space<hbm>>) target(%arg13 : memref<8192xf32, #tpu.memory_space<vmem>>) target_semaphore(%run_scoped3A : memref<!tpu.dma_semaphore, #tpu.memory_space<semaphore_mem>>)
      %dma_wait3A = arith.constant 0 : i32
      %dma_wait3A_50 = tpu.memref_slice %arg5[%select_n3A, %dma_wait3A] : memref<4x8192xf32, #tpu.memory_space<hbm>> -> memref<1x8192xf32, #tpu.memory_space<hbm>>
      %dma_wait3A_51 = tpu.memref_squeeze %dma_wait3A_50 : memref<1x8192xf32, #tpu.memory_space<hbm>> -> memref<8192xf32, #tpu.memory_space<hbm>>
      %dma_wait3A_52 = arith.constant 0 : i32
      %dma_wait3A_53 = tpu.memref_slice %arg5[%select_n3A, %dma_wait3A_52] : memref<4x8192xf32, #tpu.memory_space<hbm>> -> memref<1x8192xf32, #tpu.memory_space<hbm>>
      %dma_wait3A_54 = tpu.memref_squeeze %dma_wait3A_53 : memref<1x8192xf32, #tpu.memory_space<hbm>> -> memref<8192xf32, #tpu.memory_space<hbm>>
      tpu.wait_dma2 semaphore(%run_scoped3A : memref<!tpu.dma_semaphore, #tpu.memory_space<semaphore_mem>>) src(%dma_wait3A_54 : memref<8192xf32, #tpu.memory_space<hbm>>) dst(%arg13 : memref<8192xf32, #tpu.memory_space<vmem>>)
      tpu.yield
    }) : () -> ()
    "tpu.region"() ({
      %run_scoped3A = tpu.sem_alloc : memref<!tpu.dma_semaphore, #tpu.memory_space<semaphore_mem>>
      %dma_start3A = arith.constant 0 : i32
      %dma_start3A_45 = tpu.memref_slice %arg14[%dma_start3A] : memref<528xi32, #tpu.memory_space<vmem>> -> memref<512xi32, #tpu.memory_space<vmem>>
      %dma_start3A_46 = arith.constant 0 : i32
      %dma_start3A_47 = tpu.memref_slice %arg6[%select_n3A, %dma_start3A_46] : memref<4x512xi32, #tpu.memory_space<hbm>> -> memref<1x512xi32, #tpu.memory_space<hbm>>
      %dma_start3A_48 = tpu.memref_squeeze %dma_start3A_47 : memref<1x512xi32, #tpu.memory_space<hbm>> -> memref<512xi32, #tpu.memory_space<hbm>>
      %dma_start3A_49 = arith.constant 0 : i32
      %dma_start3A_50 = tpu.memref_slice %arg14[%dma_start3A_49] : memref<528xi32, #tpu.memory_space<vmem>> -> memref<512xi32, #tpu.memory_space<vmem>>
      %dma_start3A_51 = arith.constant 0 : i32
      %dma_start3A_52 = tpu.memref_slice %arg6[%select_n3A, %dma_start3A_51] : memref<4x512xi32, #tpu.memory_space<hbm>> -> memref<1x512xi32, #tpu.memory_space<hbm>>
      %dma_start3A_53 = tpu.memref_squeeze %dma_start3A_52 : memref<1x512xi32, #tpu.memory_space<hbm>> -> memref<512xi32, #tpu.memory_space<hbm>>
      tpu.enqueue_dma source(%dma_start3A_53 : memref<512xi32, #tpu.memory_space<hbm>>) target(%dma_start3A_50 : memref<512xi32, #tpu.memory_space<vmem>>) target_semaphore(%run_scoped3A : memref<!tpu.dma_semaphore, #tpu.memory_space<semaphore_mem>>)
      %dma_wait3A = arith.constant 0 : i32
      %dma_wait3A_54 = tpu.memref_slice %arg14[%dma_wait3A] : memref<528xi32, #tpu.memory_space<vmem>> -> memref<512xi32, #tpu.memory_space<vmem>>
      %dma_wait3A_55 = arith.constant 0 : i32
      %dma_wait3A_56 = tpu.memref_slice %arg6[%select_n3A, %dma_wait3A_55] : memref<4x512xi32, #tpu.memory_space<hbm>> -> memref<1x512xi32, #tpu.memory_space<hbm>>
      %dma_wait3A_57 = tpu.memref_squeeze %dma_wait3A_56 : memref<1x512xi32, #tpu.memory_space<hbm>> -> memref<512xi32, #tpu.memory_space<hbm>>
      %dma_wait3A_58 = arith.constant 0 : i32
      %dma_wait3A_59 = tpu.memref_slice %arg14[%dma_wait3A_58] : memref<528xi32, #tpu.memory_space<vmem>> -> memref<512xi32, #tpu.memory_space<vmem>>
      %dma_wait3A_60 = arith.constant 0 : i32
      %dma_wait3A_61 = tpu.memref_slice %arg6[%select_n3A, %dma_wait3A_60] : memref<4x512xi32, #tpu.memory_space<hbm>> -> memref<1x512xi32, #tpu.memory_space<hbm>>
      %dma_wait3A_62 = tpu.memref_squeeze %dma_wait3A_61 : memref<1x512xi32, #tpu.memory_space<hbm>> -> memref<512xi32, #tpu.memory_space<hbm>>
      tpu.wait_dma2 semaphore(%run_scoped3A : memref<!tpu.dma_semaphore, #tpu.memory_space<semaphore_mem>>) src(%dma_wait3A_62 : memref<512xi32, #tpu.memory_space<hbm>>) dst(%dma_wait3A_59 : memref<512xi32, #tpu.memory_space<vmem>>)
      tpu.yield
    }) : () -> ()
    "tpu.region"() ({
      %run_scoped3A = tpu.sem_alloc : memref<!tpu.dma_semaphore, #tpu.memory_space<semaphore_mem>>
      %dma_start3A = arith.constant 0 : i32
      %dma_start3A_45 = tpu.memref_slice %arg15[%dma_start3A] : memref<528xi32, #tpu.memory_space<vmem>> -> memref<512xi32, #tpu.memory_space<vmem>>
      %dma_start3A_46 = arith.constant 0 : i32
      %dma_start3A_47 = tpu.memref_slice %arg7[%select_n3A, %dma_start3A_46] : memref<4x512xi32, #tpu.memory_space<hbm>> -> memref<1x512xi32, #tpu.memory_space<hbm>>
      %dma_start3A_48 = tpu.memref_squeeze %dma_start3A_47 : memref<1x512xi32, #tpu.memory_space<hbm>> -> memref<512xi32, #tpu.memory_space<hbm>>
      %dma_start3A_49 = arith.constant 0 : i32
      %dma_start3A_50 = tpu.memref_slice %arg15[%dma_start3A_49] : memref<528xi32, #tpu.memory_space<vmem>> -> memref<512xi32, #tpu.memory_space<vmem>>
      %dma_start3A_51 = arith.constant 0 : i32
      %dma_start3A_52 = tpu.memref_slice %arg7[%select_n3A, %dma_start3A_51] : memref<4x512xi32, #tpu.memory_space<hbm>> -> memref<1x512xi32, #tpu.memory_space<hbm>>
      %dma_start3A_53 = tpu.memref_squeeze %dma_start3A_52 : memref<1x512xi32, #tpu.memory_space<hbm>> -> memref<512xi32, #tpu.memory_space<hbm>>
      tpu.enqueue_dma source(%dma_start3A_53 : memref<512xi32, #tpu.memory_space<hbm>>) target(%dma_start3A_50 : memref<512xi32, #tpu.memory_space<vmem>>) target_semaphore(%run_scoped3A : memref<!tpu.dma_semaphore, #tpu.memory_space<semaphore_mem>>)
      %dma_wait3A = arith.constant 0 : i32
      %dma_wait3A_54 = tpu.memref_slice %arg15[%dma_wait3A] : memref<528xi32, #tpu.memory_space<vmem>> -> memref<512xi32, #tpu.memory_space<vmem>>
      %dma_wait3A_55 = arith.constant 0 : i32
      %dma_wait3A_56 = tpu.memref_slice %arg7[%select_n3A, %dma_wait3A_55] : memref<4x512xi32, #tpu.memory_space<hbm>> -> memref<1x512xi32, #tpu.memory_space<hbm>>
      %dma_wait3A_57 = tpu.memref_squeeze %dma_wait3A_56 : memref<1x512xi32, #tpu.memory_space<hbm>> -> memref<512xi32, #tpu.memory_space<hbm>>
      %dma_wait3A_58 = arith.constant 0 : i32
      %dma_wait3A_59 = tpu.memref_slice %arg15[%dma_wait3A_58] : memref<528xi32, #tpu.memory_space<vmem>> -> memref<512xi32, #tpu.memory_space<vmem>>
      %dma_wait3A_60 = arith.constant 0 : i32
      %dma_wait3A_61 = tpu.memref_slice %arg7[%select_n3A, %dma_wait3A_60] : memref<4x512xi32, #tpu.memory_space<hbm>> -> memref<1x512xi32, #tpu.memory_space<hbm>>
      %dma_wait3A_62 = tpu.memref_squeeze %dma_wait3A_61 : memref<1x512xi32, #tpu.memory_space<hbm>> -> memref<512xi32, #tpu.memory_space<hbm>>
      tpu.wait_dma2 semaphore(%run_scoped3A : memref<!tpu.dma_semaphore, #tpu.memory_space<semaphore_mem>>) src(%dma_wait3A_62 : memref<512xi32, #tpu.memory_space<hbm>>) dst(%dma_wait3A_59 : memref<512xi32, #tpu.memory_space<vmem>>)
      tpu.yield
    }) : () -> ()
    "tpu.region"() ({
      %run_scoped3A = tpu.sem_alloc : memref<!tpu.dma_semaphore, #tpu.memory_space<semaphore_mem>>
      %dma_start3A = arith.constant 0 : i32
      %dma_start3A_45 = tpu.memref_slice %arg16[%dma_start3A] : memref<528xi32, #tpu.memory_space<vmem>> -> memref<512xi32, #tpu.memory_space<vmem>>
      %dma_start3A_46 = arith.constant 0 : i32
      %dma_start3A_47 = tpu.memref_slice %arg8[%select_n3A, %dma_start3A_46] : memref<4x512xi32, #tpu.memory_space<hbm>> -> memref<1x512xi32, #tpu.memory_space<hbm>>
      %dma_start3A_48 = tpu.memref_squeeze %dma_start3A_47 : memref<1x512xi32, #tpu.memory_space<hbm>> -> memref<512xi32, #tpu.memory_space<hbm>>
      %dma_start3A_49 = arith.constant 0 : i32
      %dma_start3A_50 = tpu.memref_slice %arg16[%dma_start3A_49] : memref<528xi32, #tpu.memory_space<vmem>> -> memref<512xi32, #tpu.memory_space<vmem>>
      %dma_start3A_51 = arith.constant 0 : i32
      %dma_start3A_52 = tpu.memref_slice %arg8[%select_n3A, %dma_start3A_51] : memref<4x512xi32, #tpu.memory_space<hbm>> -> memref<1x512xi32, #tpu.memory_space<hbm>>
      %dma_start3A_53 = tpu.memref_squeeze %dma_start3A_52 : memref<1x512xi32, #tpu.memory_space<hbm>> -> memref<512xi32, #tpu.memory_space<hbm>>
      tpu.enqueue_dma source(%dma_start3A_53 : memref<512xi32, #tpu.memory_space<hbm>>) target(%dma_start3A_50 : memref<512xi32, #tpu.memory_space<vmem>>) target_semaphore(%run_scoped3A : memref<!tpu.dma_semaphore, #tpu.memory_space<semaphore_mem>>)
      %dma_wait3A = arith.constant 0 : i32
      %dma_wait3A_54 = tpu.memref_slice %arg16[%dma_wait3A] : memref<528xi32, #tpu.memory_space<vmem>> -> memref<512xi32, #tpu.memory_space<vmem>>
      %dma_wait3A_55 = arith.constant 0 : i32
      %dma_wait3A_56 = tpu.memref_slice %arg8[%select_n3A, %dma_wait3A_55] : memref<4x512xi32, #tpu.memory_space<hbm>> -> memref<1x512xi32, #tpu.memory_space<hbm>>
      %dma_wait3A_57 = tpu.memref_squeeze %dma_wait3A_56 : memref<1x512xi32, #tpu.memory_space<hbm>> -> memref<512xi32, #tpu.memory_space<hbm>>
      %dma_wait3A_58 = arith.constant 0 : i32
      %dma_wait3A_59 = tpu.memref_slice %arg16[%dma_wait3A_58] : memref<528xi32, #tpu.memory_space<vmem>> -> memref<512xi32, #tpu.memory_space<vmem>>
      %dma_wait3A_60 = arith.constant 0 : i32
      %dma_wait3A_61 = tpu.memref_slice %arg8[%select_n3A, %dma_wait3A_60] : memref<4x512xi32, #tpu.memory_space<hbm>> -> memref<1x512xi32, #tpu.memory_space<hbm>>
      %dma_wait3A_62 = tpu.memref_squeeze %dma_wait3A_61 : memref<1x512xi32, #tpu.memory_space<hbm>> -> memref<512xi32, #tpu.memory_space<hbm>>
      tpu.wait_dma2 semaphore(%run_scoped3A : memref<!tpu.dma_semaphore, #tpu.memory_space<semaphore_mem>>) src(%dma_wait3A_62 : memref<512xi32, #tpu.memory_space<hbm>>) dst(%dma_wait3A_59 : memref<512xi32, #tpu.memory_space<vmem>>)
      tpu.yield
    }) : () -> ()
    %iota3A = tpu.iota {dimensions = array<i32: 0>} : vector<16xi32>
    %broadcast_in_dim3A = arith.constant 0.000000e+00 : f32
    %broadcast_in_dim3A_33 = vector.broadcast %broadcast_in_dim3A : f32 to vector<16xf32>
    %scan3A = arith.constant 0 : i32
    %scan3A_34 = arith.constant 0 : i32
    %scan3A_35 = arith.constant 128 : i32
    %scan3A_36 = arith.addi %scan3A_34, %scan3A_35 : i32
    %scan3A_37 = arith.constant 1 : i32
    scf.for %scan3A_45 = %scan3A_34 to %scan3A_36 step %scan3A_37  : i32 {
      %mul3A_46 = arith.constant 16 : i32
      %mul3A_47 = arith.muli %scan3A_45, %mul3A_46 : i32
      %swap3A = arith.index_cast %mul3A_47 : i32 to index
      %swap3A_48 = tpu.vector_load %arg17[%swap3A] {strides = array<i32>} : memref<2048xf32, #tpu.memory_space<vmem>>, vector<16xf32>,
      tpu.vector_store %arg17[%swap3A], %broadcast_in_dim3A_33 {strides = array<i32>} : memref<2048xf32, #tpu.memory_space<vmem>>, vector<16xf32>,
    }
    %scan3A_38 = arith.constant 128 : i32
    %scan3A_39 = arith.constant 0 : i32
    %scan3A_40 = arith.constant 0 : i32
    %scan3A_41 = arith.constant 64 : i32
    %scan3A_42 = arith.addi %scan3A_40, %scan3A_41 : i32
    %scan3A_43 = arith.constant 1 : i32
    scf.for %scan3A_45 = %scan3A_40 to %scan3A_42 step %scan3A_43  : i32 {
      %add3A_46 = arith.addi %mul3A_32, %scan3A_45 : i32
      %get3A = arith.index_cast %add3A_46 : i32 to index
      %get3A_47 = tpu.vector_load %arg14[%get3A] {strides = array<i32>} : memref<528xi32, #tpu.memory_space<vmem>>, vector<16xi32>,
      %slice3A = vector.extract_strided_slice %get3A_47 {offsets = [0], sizes = [1], strides = [1]} : vector<16xi32> to vector<1xi32>
      %squeeze3A = vector.extract %slice3A[0] : i32 from vector<1xi32>
      %get3A_48 = arith.index_cast %add3A_46 : i32 to index
      %get3A_49 = tpu.vector_load %arg15[%get3A_48] {strides = array<i32>} : memref<528xi32, #tpu.memory_space<vmem>>, vector<16xi32>,
      %slice3A_50 = vector.extract_strided_slice %get3A_49 {offsets = [0], sizes = [1], strides = [1]} : vector<16xi32> to vector<1xi32>
      %squeeze3A_51 = vector.extract %slice3A_50[0] : i32 from vector<1xi32>
      %while3A = arith.constant 0 : i32
      %while3A_52 = arith.constant 0 : i32
      %while3A_53 = arith.subi %squeeze3A, %while3A_52 : i32
      %while3A_54 = arith.addi %while3A_52, %while3A_53 : i32
      %while3A_55 = arith.constant 1 : i32
      %while3A_56 = arith.divsi %while3A_53, %while3A_55 : i32
      %while3A_57 = arith.muli %while3A_56, %while3A_55 : i32
      %while3A_58 = arith.addi %while3A_52, %while3A_57 : i32
      %while3A_59 = arith.constant 1 : i32
      scf.for %while3A_71 = %while3A_52 to %while3A_58 step %while3A_59  : i32 {
        %add3A_72 = arith.addi %squeeze3A_51, %while3A_71 : i32
        %get3A_73 = arith.index_cast %add3A_72 : i32 to index
        %get3A_74 = tpu.vector_load %arg16[%get3A_73] {strides = array<i32>} : memref<528xi32, #tpu.memory_space<vmem>>, vector<16xi32>,
        %slice3A_75 = vector.extract_strided_slice %get3A_74 {offsets = [0], sizes = [1], strides = [1]} : vector<16xi32> to vector<1xi32>
        %squeeze3A_76 = vector.extract %slice3A_75[0] : i32 from vector<1xi32>
        %mul3A_77 = arith.constant 16 : i32
        %mul3A_78 = arith.muli %squeeze3A_76, %mul3A_77 : i32
        %add3A_79 = vector.broadcast %mul3A_78 : i32 to vector<16xi32>
        %add3A_80 = arith.addi %add3A_79, %iota3A : vector<16xi32>
        %gather3A = tpu.vector_load_idx %arg12[%add3A_80] : memref<8192xi32, #tpu.memory_space<vmem>>[vector<16xi32>], vector<16xi32>,
        %gather3A_81 = tpu.vector_load_idx %arg10[%gather3A] : memref<512xi32, #tpu.memory_space<vmem>>[vector<16xi32>], vector<16xi32>,
        %mul3A_82 = arith.constant 32 : i32
        %mul3A_83 = vector.broadcast %mul3A_82 : i32 to vector<16xi32>
        %mul3A_84 = arith.muli %gather3A, %mul3A_83 : vector<16xi32>
        %add3A_85 = arith.addi %mul3A_84, %iota3A : vector<16xi32>
        %gather3A_86 = tpu.vector_load_idx %arg11[%add3A_85] : memref<16384xi32, #tpu.memory_space<vmem>>[vector<16xi32>], vector<16xi32>,
        %add3A_87 = vector.broadcast %mul3A_78 : i32 to vector<16xi32>
        %add3A_88 = arith.addi %add3A_87, %iota3A : vector<16xi32>
        %gather3A_89 = tpu.vector_load_idx %arg13[%add3A_88] : memref<8192xf32, #tpu.memory_space<vmem>>[vector<16xi32>], vector<16xf32>,
        tpu.vector_store_idx %arg17[%gather3A_81], %gather3A_89 : memref<2048xf32, #tpu.memory_space<vmem>>[vector<16xi32>], vector<16xf32>,
        tpu.vector_store_idx %arg17[%gather3A_86], %gather3A_89 : memref<2048xf32, #tpu.memory_space<vmem>>[vector<16xi32>], vector<16xf32>,
      }
      %while3A_60 = arith.constant 1 : i32
      scf.for %while3A_71 = %while3A_58 to %while3A_54 step %while3A_60  : i32 {
        %add3A_72 = arith.addi %squeeze3A_51, %while3A_71 : i32
        %get3A_73 = arith.index_cast %add3A_72 : i32 to index
        %get3A_74 = tpu.vector_load %arg16[%get3A_73] {strides = array<i32>} : memref<528xi32, #tpu.memory_space<vmem>>, vector<16xi32>,
        %slice3A_75 = vector.extract_strided_slice %get3A_74 {offsets = [0], sizes = [1], strides = [1]} : vector<16xi32> to vector<1xi32>
        %squeeze3A_76 = vector.extract %slice3A_75[0] : i32 from vector<1xi32>
        %mul3A_77 = arith.constant 16 : i32
        %mul3A_78 = arith.muli %squeeze3A_76, %mul3A_77 : i32
        %add3A_79 = vector.broadcast %mul3A_78 : i32 to vector<16xi32>
        %add3A_80 = arith.addi %add3A_79, %iota3A : vector<16xi32>
        %gather3A = tpu.vector_load_idx %arg12[%add3A_80] : memref<8192xi32, #tpu.memory_space<vmem>>[vector<16xi32>], vector<16xi32>,
        %gather3A_81 = tpu.vector_load_idx %arg10[%gather3A] : memref<512xi32, #tpu.memory_space<vmem>>[vector<16xi32>], vector<16xi32>,
        %mul3A_82 = arith.constant 32 : i32
        %mul3A_83 = vector.broadcast %mul3A_82 : i32 to vector<16xi32>
        %mul3A_84 = arith.muli %gather3A, %mul3A_83 : vector<16xi32>
        %add3A_85 = arith.addi %mul3A_84, %iota3A : vector<16xi32>
        %gather3A_86 = tpu.vector_load_idx %arg11[%add3A_85] : memref<16384xi32, #tpu.memory_space<vmem>>[vector<16xi32>], vector<16xi32>,
        %add3A_87 = vector.broadcast %mul3A_78 : i32 to vector<16xi32>
        %add3A_88 = arith.addi %add3A_87, %iota3A : vector<16xi32>
        %gather3A_89 = tpu.vector_load_idx %arg13[%add3A_88] : memref<8192xf32, #tpu.memory_space<vmem>>[vector<16xi32>], vector<16xf32>,
        tpu.vector_store_idx %arg17[%gather3A_81], %gather3A_89 : memref<2048xf32, #tpu.memory_space<vmem>>[vector<16xi32>], vector<16xf32>,
        tpu.vector_store_idx %arg17[%gather3A_86], %gather3A_89 : memref<2048xf32, #tpu.memory_space<vmem>>[vector<16xi32>], vector<16xf32>,
      }
      "tpu.region"() ({
        %run_scoped3A = tpu.sem_alloc : memref<!tpu.dma_semaphore, #tpu.memory_space<semaphore_mem>>
        %dma_start3A = arith.constant 0 : i32
        %dma_start3A_71 = tpu.memref_slice %arg9[%select_n3A, %add3A_46, %dma_start3A] : memref<4x512x2048xf32, #tpu.memory_space<hbm>> -> memref<1x1x2048xf32, #tpu.memory_space<hbm>>
        %dma_start3A_72 = tpu.memref_squeeze %dma_start3A_71 : memref<1x1x2048xf32, #tpu.memory_space<hbm>> -> memref<2048xf32, #tpu.memory_space<hbm>>
        %dma_start3A_73 = arith.constant 0 : i32
        %dma_start3A_74 = tpu.memref_slice %arg9[%select_n3A, %add3A_46, %dma_start3A_73] : memref<4x512x2048xf32, #tpu.memory_space<hbm>> -> memref<1x1x2048xf32, #tpu.memory_space<hbm>>
        %dma_start3A_75 = tpu.memref_squeeze %dma_start3A_74 : memref<1x1x2048xf32, #tpu.memory_space<hbm>> -> memref<2048xf32, #tpu.memory_space<hbm>>
        tpu.enqueue_dma source(%arg17 : memref<2048xf32, #tpu.memory_space<vmem>>) target(%dma_start3A_75 : memref<2048xf32, #tpu.memory_space<hbm>>) target_semaphore(%run_scoped3A : memref<!tpu.dma_semaphore, #tpu.memory_space<semaphore_mem>>)
        %dma_wait3A = arith.constant 0 : i32
        %dma_wait3A_76 = tpu.memref_slice %arg9[%select_n3A, %add3A_46, %dma_wait3A] : memref<4x512x2048xf32, #tpu.memory_space<hbm>> -> memref<1x1x2048xf32, #tpu.memory_space<hbm>>
        %dma_wait3A_77 = tpu.memref_squeeze %dma_wait3A_76 : memref<1x1x2048xf32, #tpu.memory_space<hbm>> -> memref<2048xf32, #tpu.memory_space<hbm>>
        %dma_wait3A_78 = arith.constant 0 : i32
        %dma_wait3A_79 = tpu.memref_slice %arg9[%select_n3A, %add3A_46, %dma_wait3A_78] : memref<4x512x2048xf32, #tpu.memory_space<hbm>> -> memref<1x1x2048xf32, #tpu.memory_space<hbm>>
        %dma_wait3A_80 = tpu.memref_squeeze %dma_wait3A_79 : memref<1x1x2048xf32, #tpu.memory_space<hbm>> -> memref<2048xf32, #tpu.memory_space<hbm>>
        tpu.wait_dma2 semaphore(%run_scoped3A : memref<!tpu.dma_semaphore, #tpu.memory_space<semaphore_mem>>) src(%arg17 : memref<2048xf32, #tpu.memory_space<vmem>>) dst(%dma_wait3A_80 : memref<2048xf32, #tpu.memory_space<hbm>>)
        tpu.yield
      }) : () -> ()
      %while3A_61 = arith.constant 0 : i32
      %while3A_62 = arith.constant 0 : i32
      %while3A_63 = arith.subi %squeeze3A, %while3A_62 : i32
      %while3A_64 = arith.addi %while3A_62, %while3A_63 : i32
      %while3A_65 = arith.constant 1 : i32
      %while3A_66 = arith.divsi %while3A_63, %while3A_65 : i32
      %while3A_67 = arith.muli %while3A_66, %while3A_65 : i32
      %while3A_68 = arith.addi %while3A_62, %while3A_67 : i32
      %while3A_69 = arith.constant 1 : i32
      scf.for %while3A_71 = %while3A_62 to %while3A_68 step %while3A_69  : i32 {
        %add3A_72 = arith.addi %squeeze3A_51, %while3A_71 : i32
        %get3A_73 = arith.index_cast %add3A_72 : i32 to index
        %get3A_74 = tpu.vector_load %arg16[%get3A_73] {strides = array<i32>} : memref<528xi32, #tpu.memory_space<vmem>>, vector<16xi32>,
        %slice3A_75 = vector.extract_strided_slice %get3A_74 {offsets = [0], sizes = [1], strides = [1]} : vector<16xi32> to vector<1xi32>
        %squeeze3A_76 = vector.extract %slice3A_75[0] : i32 from vector<1xi32>
        %mul3A_77 = arith.constant 16 : i32
        %mul3A_78 = arith.muli %squeeze3A_76, %mul3A_77 : i32
        %add3A_79 = vector.broadcast %mul3A_78 : i32 to vector<16xi32>
        %add3A_80 = arith.addi %add3A_79, %iota3A : vector<16xi32>
        %gather3A = tpu.vector_load_idx %arg12[%add3A_80] : memref<8192xi32, #tpu.memory_space<vmem>>[vector<16xi32>], vector<16xi32>,
        %gather3A_81 = tpu.vector_load_idx %arg10[%gather3A] : memref<512xi32, #tpu.memory_space<vmem>>[vector<16xi32>], vector<16xi32>,
        %mul3A_82 = arith.constant 32 : i32
        %mul3A_83 = vector.broadcast %mul3A_82 : i32 to vector<16xi32>
        %mul3A_84 = arith.muli %gather3A, %mul3A_83 : vector<16xi32>
        %add3A_85 = arith.addi %mul3A_84, %iota3A : vector<16xi32>
        %gather3A_86 = tpu.vector_load_idx %arg11[%add3A_85] : memref<16384xi32, #tpu.memory_space<vmem>>[vector<16xi32>], vector<16xi32>,
        tpu.vector_store_idx %arg17[%gather3A_81], %broadcast_in_dim3A_33 : memref<2048xf32, #tpu.memory_space<vmem>>[vector<16xi32>], vector<16xf32>,
        tpu.vector_store_idx %arg17[%gather3A_86], %broadcast_in_dim3A_33 : memref<2048xf32, #tpu.memory_space<vmem>>[vector<16xi32>], vector<16xf32>,
      }
      %while3A_70 = arith.constant 1 : i32
      scf.for %while3A_71 = %while3A_68 to %while3A_64 step %while3A_70  : i32 {
        %add3A_72 = arith.addi %squeeze3A_51, %while3A_71 : i32
        %get3A_73 = arith.index_cast %add3A_72 : i32 to index
        %get3A_74 = tpu.vector_load %arg16[%get3A_73] {strides = array<i32>} : memref<528xi32, #tpu.memory_space<vmem>>, vector<16xi32>,
        %slice3A_75 = vector.extract_strided_slice %get3A_74 {offsets = [0], sizes = [1], strides = [1]} : vector<16xi32> to vector<1xi32>
        %squeeze3A_76 = vector.extract %slice3A_75[0] : i32 from vector<1xi32>
        %mul3A_77 = arith.constant 16 : i32
        %mul3A_78 = arith.muli %squeeze3A_76, %mul3A_77 : i32
        %add3A_79 = vector.broadcast %mul3A_78 : i32 to vector<16xi32>
        %add3A_80 = arith.addi %add3A_79, %iota3A : vector<16xi32>
        %gather3A = tpu.vector_load_idx %arg12[%add3A_80] : memref<8192xi32, #tpu.memory_space<vmem>>[vector<16xi32>], vector<16xi32>,
        %gather3A_81 = tpu.vector_load_idx %arg10[%gather3A] : memref<512xi32, #tpu.memory_space<vmem>>[vector<16xi32>], vector<16xi32>,
        %mul3A_82 = arith.constant 32 : i32
        %mul3A_83 = vector.broadcast %mul3A_82 : i32 to vector<16xi32>
        %mul3A_84 = arith.muli %gather3A, %mul3A_83 : vector<16xi32>
        %add3A_85 = arith.addi %mul3A_84, %iota3A : vector<16xi32>
        %gather3A_86 = tpu.vector_load_idx %arg11[%add3A_85] : memref<16384xi32, #tpu.memory_space<vmem>>[vector<16xi32>], vector<16xi32>,
        tpu.vector_store_idx %arg17[%gather3A_81], %broadcast_in_dim3A_33 : memref<2048xf32, #tpu.memory_space<vmem>>[vector<16xi32>], vector<16xf32>,
        tpu.vector_store_idx %arg17[%gather3A_86], %broadcast_in_dim3A_33 : memref<2048xf32, #tpu.memory_space<vmem>>[vector<16xi32>], vector<16xf32>,
      }
    }
    %scan3A_44 = arith.constant 64 : i32
    return
  }
}

module attributes {stable_mosaic.version = 14 : i64} {
  func.func @_prep_body(%arg0: i32, %arg1: memref<1x512x512xf32, #tpu.memory_space<vmem>>, %arg2: memref<1x1x512xi32, #tpu.memory_space<vmem>>, %arg3: memref<1x512x128xi32, #tpu.memory_space<vmem>>, %arg4: memref<1x512x16xf32, #tpu.memory_space<vmem>>, %arg5: memref<1x512x16xi32, #tpu.memory_space<vmem>>, %arg6: memref<1x1x512xi32, #tpu.memory_space<vmem>>, %arg7: memref<1x1x512xi32, #tpu.memory_space<vmem>>, %arg8: memref<1x1x512xi32, #tpu.memory_space<vmem>>) attributes {dimension_semantics = [#tpu.dimension_semantics<arbitrary>], iteration_bounds = array<i64: 4>, scalar_prefetch = 0 : i64, scratch_operands = 0 : i64, tpu.core_type = #tpu.core_type<tc>, window_params = [{transform_indices = @transform_0, window_bounds = array<i64: 1, 512, 512>}, {transform_indices = @transform_1, window_bounds = array<i64: 1, 1, 512>}, {transform_indices = @transform_2, window_bounds = array<i64: 1, 512, 128>}, {transform_indices = @transform_3, window_bounds = array<i64: 1, 512, 16>}, {transform_indices = @transform_4, window_bounds = array<i64: 1, 512, 16>}, {transform_indices = @transform_5, window_bounds = array<i64: 1, 1, 512>}, {transform_indices = @transform_6, window_bounds = array<i64: 1, 1, 512>}, {transform_indices = @transform_7, window_bounds = array<i64: 1, 1, 512>}]} {
    %get3A = arith.constant 0 : index
    %get3A_0 = arith.constant 0 : index
    %get3A_1 = arith.constant 0 : index
    %get3A_2 = vector.load %arg1[%get3A, %get3A_0, %get3A_1] : memref<1x512x512xf32, #tpu.memory_space<vmem>>, vector<1x512x512xf32>
    %get3A_3 = vector.shape_cast %get3A_2 : vector<1x512x512xf32> to vector<512x512xf32>
    %iota3A = tpu.iota {dimensions = array<i32: 1>} : vector<512x512xi32>
    %iota3A_4 = tpu.iota {dimensions = array<i32: 0>} : vector<512x512xi32>
    %mul3A = arith.constant 0x4B000000 : f32
    %mul3A_5 = vector.broadcast %mul3A : f32 to vector<512x512xf32>
    %mul3A_6 = arith.mulf %get3A_3, %mul3A_5 : vector<512x512xf32>
    %convert_element_type3A = arith.fptosi %mul3A_6 : vector<512x512xf32> to vector<512x512xi32>
    %sub3A = arith.constant 4194304 : i32
    %sub3A_7 = vector.broadcast %sub3A : i32 to vector<512x512xi32>
    %sub3A_8 = arith.subi %convert_element_type3A, %sub3A_7 : vector<512x512xi32>
    %shift_left3A = arith.constant 9 : i32
    %shift_left3A_9 = vector.broadcast %shift_left3A : i32 to vector<512x512xi32>
    %shift_left3A_10 = arith.shli %sub3A_8, %shift_left3A_9 : vector<512x512xi32>
    %sub3A_11 = arith.constant 511 : i32
    %sub3A_12 = vector.broadcast %sub3A_11 : i32 to vector<512x512xi32>
    %sub3A_13 = arith.subi %sub3A_12, %iota3A : vector<512x512xi32>
    %or3A = arith.ori %shift_left3A_10, %sub3A_13 : vector<512x512xi32>
    %reduce_max3A = arith.constant dense<-2147483648> : vector<512xi32>
    %reduce_max3A_14 = vector.multi_reduction <maxsi>, %or3A, %reduce_max3A [1] : vector<512x512xi32> to vector<512xi32>
    %broadcast_in_dim3A = vector.shape_cast %reduce_max3A_14 : vector<512xi32> to vector<512x1xi32>
    %and3A = arith.constant 511 : i32
    %and3A_15 = vector.broadcast %and3A : i32 to vector<512x1xi32>
    %and3A_16 = arith.andi %broadcast_in_dim3A, %and3A_15 : vector<512x1xi32>
    %sub3A_17 = arith.constant 511 : i32
    %sub3A_18 = vector.broadcast %sub3A_17 : i32 to vector<512x1xi32>
    %sub3A_19 = arith.subi %sub3A_18, %and3A_16 : vector<512x1xi32>
    %shift_right_arithmetic3A = arith.constant 9 : i32
    %shift_right_arithmetic3A_20 = vector.broadcast %shift_right_arithmetic3A : i32 to vector<512x1xi32>
    %shift_right_arithmetic3A_21 = arith.shrsi %broadcast_in_dim3A, %shift_right_arithmetic3A_20 : vector<512x1xi32>
    %add3A = arith.constant 4194304 : i32
    %add3A_22 = vector.broadcast %add3A : i32 to vector<512x1xi32>
    %add3A_23 = arith.addi %shift_right_arithmetic3A_21, %add3A_22 : vector<512x1xi32>
    %convert_element_type3A_24 = arith.sitofp %add3A_23 : vector<512x1xi32> to vector<512x1xf32>
    %mul3A_25 = arith.constant 1.1920929E-7 : f32
    %mul3A_26 = vector.broadcast %mul3A_25 : f32 to vector<512x1xf32>
    %mul3A_27 = arith.mulf %convert_element_type3A_24, %mul3A_26 : vector<512x1xf32>
    %eq3A = vector.broadcast %broadcast_in_dim3A : vector<512x1xi32> to vector<512x512xi32>
    %eq3A_28 = arith.cmpi eq, %or3A, %eq3A : vector<512x512xi32>
    %jit3A = arith.constant -2147483648 : i32
    %broadcast_in_dim3A_29 = vector.broadcast %jit3A : i32 to vector<512x512xi32>
    %select_n3A = arith.select %eq3A_28, %broadcast_in_dim3A_29, %or3A : vector<512x512xi1>, vector<512x512xi32>
    %reduce_max3A_30 = arith.constant dense<-2147483648> : vector<512xi32>
    %reduce_max3A_31 = vector.multi_reduction <maxsi>, %select_n3A, %reduce_max3A_30 [1] : vector<512x512xi32> to vector<512xi32>
    %broadcast_in_dim3A_32 = vector.shape_cast %reduce_max3A_31 : vector<512xi32> to vector<512x1xi32>
    %and3A_33 = arith.constant 511 : i32
    %and3A_34 = vector.broadcast %and3A_33 : i32 to vector<512x1xi32>
    %and3A_35 = arith.andi %broadcast_in_dim3A_32, %and3A_34 : vector<512x1xi32>
    %sub3A_36 = arith.constant 511 : i32
    %sub3A_37 = vector.broadcast %sub3A_36 : i32 to vector<512x1xi32>
    %sub3A_38 = arith.subi %sub3A_37, %and3A_35 : vector<512x1xi32>
    %shift_right_arithmetic3A_39 = arith.constant 9 : i32
    %shift_right_arithmetic3A_40 = vector.broadcast %shift_right_arithmetic3A_39 : i32 to vector<512x1xi32>
    %shift_right_arithmetic3A_41 = arith.shrsi %broadcast_in_dim3A_32, %shift_right_arithmetic3A_40 : vector<512x1xi32>
    %add3A_42 = arith.constant 4194304 : i32
    %add3A_43 = vector.broadcast %add3A_42 : i32 to vector<512x1xi32>
    %add3A_44 = arith.addi %shift_right_arithmetic3A_41, %add3A_43 : vector<512x1xi32>
    %convert_element_type3A_45 = arith.sitofp %add3A_44 : vector<512x1xi32> to vector<512x1xf32>
    %mul3A_46 = arith.constant 1.1920929E-7 : f32
    %mul3A_47 = vector.broadcast %mul3A_46 : f32 to vector<512x1xf32>
    %mul3A_48 = arith.mulf %convert_element_type3A_45, %mul3A_47 : vector<512x1xf32>
    %eq3A_49 = vector.broadcast %broadcast_in_dim3A_32 : vector<512x1xi32> to vector<512x512xi32>
    %eq3A_50 = arith.cmpi eq, %select_n3A, %eq3A_49 : vector<512x512xi32>
    %jit3A_51 = arith.constant -2147483648 : i32
    %broadcast_in_dim3A_52 = vector.broadcast %jit3A_51 : i32 to vector<512x512xi32>
    %select_n3A_53 = arith.select %eq3A_50, %broadcast_in_dim3A_52, %select_n3A : vector<512x512xi1>, vector<512x512xi32>
    %reduce_max3A_54 = arith.constant dense<-2147483648> : vector<512xi32>
    %reduce_max3A_55 = vector.multi_reduction <maxsi>, %select_n3A_53, %reduce_max3A_54 [1] : vector<512x512xi32> to vector<512xi32>
    %broadcast_in_dim3A_56 = vector.shape_cast %reduce_max3A_55 : vector<512xi32> to vector<512x1xi32>
    %and3A_57 = arith.constant 511 : i32
    %and3A_58 = vector.broadcast %and3A_57 : i32 to vector<512x1xi32>
    %and3A_59 = arith.andi %broadcast_in_dim3A_56, %and3A_58 : vector<512x1xi32>
    %sub3A_60 = arith.constant 511 : i32
    %sub3A_61 = vector.broadcast %sub3A_60 : i32 to vector<512x1xi32>
    %sub3A_62 = arith.subi %sub3A_61, %and3A_59 : vector<512x1xi32>
    %shift_right_arithmetic3A_63 = arith.constant 9 : i32
    %shift_right_arithmetic3A_64 = vector.broadcast %shift_right_arithmetic3A_63 : i32 to vector<512x1xi32>
    %shift_right_arithmetic3A_65 = arith.shrsi %broadcast_in_dim3A_56, %shift_right_arithmetic3A_64 : vector<512x1xi32>
    %add3A_66 = arith.constant 4194304 : i32
    %add3A_67 = vector.broadcast %add3A_66 : i32 to vector<512x1xi32>
    %add3A_68 = arith.addi %shift_right_arithmetic3A_65, %add3A_67 : vector<512x1xi32>
    %convert_element_type3A_69 = arith.sitofp %add3A_68 : vector<512x1xi32> to vector<512x1xf32>
    %mul3A_70 = arith.constant 1.1920929E-7 : f32
    %mul3A_71 = vector.broadcast %mul3A_70 : f32 to vector<512x1xf32>
    %mul3A_72 = arith.mulf %convert_element_type3A_69, %mul3A_71 : vector<512x1xf32>
    %eq3A_73 = vector.broadcast %broadcast_in_dim3A_56 : vector<512x1xi32> to vector<512x512xi32>
    %eq3A_74 = arith.cmpi eq, %select_n3A_53, %eq3A_73 : vector<512x512xi32>
    %jit3A_75 = arith.constant -2147483648 : i32
    %broadcast_in_dim3A_76 = vector.broadcast %jit3A_75 : i32 to vector<512x512xi32>
    %select_n3A_77 = arith.select %eq3A_74, %broadcast_in_dim3A_76, %select_n3A_53 : vector<512x512xi1>, vector<512x512xi32>
    %reduce_max3A_78 = arith.constant dense<-2147483648> : vector<512xi32>
    %reduce_max3A_79 = vector.multi_reduction <maxsi>, %select_n3A_77, %reduce_max3A_78 [1] : vector<512x512xi32> to vector<512xi32>
    %broadcast_in_dim3A_80 = vector.shape_cast %reduce_max3A_79 : vector<512xi32> to vector<512x1xi32>
    %and3A_81 = arith.constant 511 : i32
    %and3A_82 = vector.broadcast %and3A_81 : i32 to vector<512x1xi32>
    %and3A_83 = arith.andi %broadcast_in_dim3A_80, %and3A_82 : vector<512x1xi32>
    %sub3A_84 = arith.constant 511 : i32
    %sub3A_85 = vector.broadcast %sub3A_84 : i32 to vector<512x1xi32>
    %sub3A_86 = arith.subi %sub3A_85, %and3A_83 : vector<512x1xi32>
    %shift_right_arithmetic3A_87 = arith.constant 9 : i32
    %shift_right_arithmetic3A_88 = vector.broadcast %shift_right_arithmetic3A_87 : i32 to vector<512x1xi32>
    %shift_right_arithmetic3A_89 = arith.shrsi %broadcast_in_dim3A_80, %shift_right_arithmetic3A_88 : vector<512x1xi32>
    %add3A_90 = arith.constant 4194304 : i32
    %add3A_91 = vector.broadcast %add3A_90 : i32 to vector<512x1xi32>
    %add3A_92 = arith.addi %shift_right_arithmetic3A_89, %add3A_91 : vector<512x1xi32>
    %convert_element_type3A_93 = arith.sitofp %add3A_92 : vector<512x1xi32> to vector<512x1xf32>
    %mul3A_94 = arith.constant 1.1920929E-7 : f32
    %mul3A_95 = vector.broadcast %mul3A_94 : f32 to vector<512x1xf32>
    %mul3A_96 = arith.mulf %convert_element_type3A_93, %mul3A_95 : vector<512x1xf32>
    %eq3A_97 = vector.broadcast %broadcast_in_dim3A_80 : vector<512x1xi32> to vector<512x512xi32>
    %eq3A_98 = arith.cmpi eq, %select_n3A_77, %eq3A_97 : vector<512x512xi32>
    %jit3A_99 = arith.constant -2147483648 : i32
    %broadcast_in_dim3A_100 = vector.broadcast %jit3A_99 : i32 to vector<512x512xi32>
    %select_n3A_101 = arith.select %eq3A_98, %broadcast_in_dim3A_100, %select_n3A_77 : vector<512x512xi1>, vector<512x512xi32>
    %reduce_max3A_102 = arith.constant dense<-2147483648> : vector<512xi32>
    %reduce_max3A_103 = vector.multi_reduction <maxsi>, %select_n3A_101, %reduce_max3A_102 [1] : vector<512x512xi32> to vector<512xi32>
    %broadcast_in_dim3A_104 = vector.shape_cast %reduce_max3A_103 : vector<512xi32> to vector<512x1xi32>
    %and3A_105 = arith.constant 511 : i32
    %and3A_106 = vector.broadcast %and3A_105 : i32 to vector<512x1xi32>
    %and3A_107 = arith.andi %broadcast_in_dim3A_104, %and3A_106 : vector<512x1xi32>
    %sub3A_108 = arith.constant 511 : i32
    %sub3A_109 = vector.broadcast %sub3A_108 : i32 to vector<512x1xi32>
    %sub3A_110 = arith.subi %sub3A_109, %and3A_107 : vector<512x1xi32>
    %shift_right_arithmetic3A_111 = arith.constant 9 : i32
    %shift_right_arithmetic3A_112 = vector.broadcast %shift_right_arithmetic3A_111 : i32 to vector<512x1xi32>
    %shift_right_arithmetic3A_113 = arith.shrsi %broadcast_in_dim3A_104, %shift_right_arithmetic3A_112 : vector<512x1xi32>
    %add3A_114 = arith.constant 4194304 : i32
    %add3A_115 = vector.broadcast %add3A_114 : i32 to vector<512x1xi32>
    %add3A_116 = arith.addi %shift_right_arithmetic3A_113, %add3A_115 : vector<512x1xi32>
    %convert_element_type3A_117 = arith.sitofp %add3A_116 : vector<512x1xi32> to vector<512x1xf32>
    %mul3A_118 = arith.constant 1.1920929E-7 : f32
    %mul3A_119 = vector.broadcast %mul3A_118 : f32 to vector<512x1xf32>
    %mul3A_120 = arith.mulf %convert_element_type3A_117, %mul3A_119 : vector<512x1xf32>
    %eq3A_121 = vector.broadcast %broadcast_in_dim3A_104 : vector<512x1xi32> to vector<512x512xi32>
    %eq3A_122 = arith.cmpi eq, %select_n3A_101, %eq3A_121 : vector<512x512xi32>
    %jit3A_123 = arith.constant -2147483648 : i32
    %broadcast_in_dim3A_124 = vector.broadcast %jit3A_123 : i32 to vector<512x512xi32>
    %select_n3A_125 = arith.select %eq3A_122, %broadcast_in_dim3A_124, %select_n3A_101 : vector<512x512xi1>, vector<512x512xi32>
    %reduce_max3A_126 = arith.constant dense<-2147483648> : vector<512xi32>
    %reduce_max3A_127 = vector.multi_reduction <maxsi>, %select_n3A_125, %reduce_max3A_126 [1] : vector<512x512xi32> to vector<512xi32>
    %broadcast_in_dim3A_128 = vector.shape_cast %reduce_max3A_127 : vector<512xi32> to vector<512x1xi32>
    %and3A_129 = arith.constant 511 : i32
    %and3A_130 = vector.broadcast %and3A_129 : i32 to vector<512x1xi32>
    %and3A_131 = arith.andi %broadcast_in_dim3A_128, %and3A_130 : vector<512x1xi32>
    %sub3A_132 = arith.constant 511 : i32
    %sub3A_133 = vector.broadcast %sub3A_132 : i32 to vector<512x1xi32>
    %sub3A_134 = arith.subi %sub3A_133, %and3A_131 : vector<512x1xi32>
    %shift_right_arithmetic3A_135 = arith.constant 9 : i32
    %shift_right_arithmetic3A_136 = vector.broadcast %shift_right_arithmetic3A_135 : i32 to vector<512x1xi32>
    %shift_right_arithmetic3A_137 = arith.shrsi %broadcast_in_dim3A_128, %shift_right_arithmetic3A_136 : vector<512x1xi32>
    %add3A_138 = arith.constant 4194304 : i32
    %add3A_139 = vector.broadcast %add3A_138 : i32 to vector<512x1xi32>
    %add3A_140 = arith.addi %shift_right_arithmetic3A_137, %add3A_139 : vector<512x1xi32>
    %convert_element_type3A_141 = arith.sitofp %add3A_140 : vector<512x1xi32> to vector<512x1xf32>
    %mul3A_142 = arith.constant 1.1920929E-7 : f32
    %mul3A_143 = vector.broadcast %mul3A_142 : f32 to vector<512x1xf32>
    %mul3A_144 = arith.mulf %convert_element_type3A_141, %mul3A_143 : vector<512x1xf32>
    %eq3A_145 = vector.broadcast %broadcast_in_dim3A_128 : vector<512x1xi32> to vector<512x512xi32>
    %eq3A_146 = arith.cmpi eq, %select_n3A_125, %eq3A_145 : vector<512x512xi32>
    %jit3A_147 = arith.constant -2147483648 : i32
    %broadcast_in_dim3A_148 = vector.broadcast %jit3A_147 : i32 to vector<512x512xi32>
    %select_n3A_149 = arith.select %eq3A_146, %broadcast_in_dim3A_148, %select_n3A_125 : vector<512x512xi1>, vector<512x512xi32>
    %reduce_max3A_150 = arith.constant dense<-2147483648> : vector<512xi32>
    %reduce_max3A_151 = vector.multi_reduction <maxsi>, %select_n3A_149, %reduce_max3A_150 [1] : vector<512x512xi32> to vector<512xi32>
    %broadcast_in_dim3A_152 = vector.shape_cast %reduce_max3A_151 : vector<512xi32> to vector<512x1xi32>
    %and3A_153 = arith.constant 511 : i32
    %and3A_154 = vector.broadcast %and3A_153 : i32 to vector<512x1xi32>
    %and3A_155 = arith.andi %broadcast_in_dim3A_152, %and3A_154 : vector<512x1xi32>
    %sub3A_156 = arith.constant 511 : i32
    %sub3A_157 = vector.broadcast %sub3A_156 : i32 to vector<512x1xi32>
    %sub3A_158 = arith.subi %sub3A_157, %and3A_155 : vector<512x1xi32>
    %shift_right_arithmetic3A_159 = arith.constant 9 : i32
    %shift_right_arithmetic3A_160 = vector.broadcast %shift_right_arithmetic3A_159 : i32 to vector<512x1xi32>
    %shift_right_arithmetic3A_161 = arith.shrsi %broadcast_in_dim3A_152, %shift_right_arithmetic3A_160 : vector<512x1xi32>
    %add3A_162 = arith.constant 4194304 : i32
    %add3A_163 = vector.broadcast %add3A_162 : i32 to vector<512x1xi32>
    %add3A_164 = arith.addi %shift_right_arithmetic3A_161, %add3A_163 : vector<512x1xi32>
    %convert_element_type3A_165 = arith.sitofp %add3A_164 : vector<512x1xi32> to vector<512x1xf32>
    %mul3A_166 = arith.constant 1.1920929E-7 : f32
    %mul3A_167 = vector.broadcast %mul3A_166 : f32 to vector<512x1xf32>
    %mul3A_168 = arith.mulf %convert_element_type3A_165, %mul3A_167 : vector<512x1xf32>
    %eq3A_169 = vector.broadcast %broadcast_in_dim3A_152 : vector<512x1xi32> to vector<512x512xi32>
    %eq3A_170 = arith.cmpi eq, %select_n3A_149, %eq3A_169 : vector<512x512xi32>
    %jit3A_171 = arith.constant -2147483648 : i32
    %broadcast_in_dim3A_172 = vector.broadcast %jit3A_171 : i32 to vector<512x512xi32>
    %select_n3A_173 = arith.select %eq3A_170, %broadcast_in_dim3A_172, %select_n3A_149 : vector<512x512xi1>, vector<512x512xi32>
    %reduce_max3A_174 = arith.constant dense<-2147483648> : vector<512xi32>
    %reduce_max3A_175 = vector.multi_reduction <maxsi>, %select_n3A_173, %reduce_max3A_174 [1] : vector<512x512xi32> to vector<512xi32>
    %broadcast_in_dim3A_176 = vector.shape_cast %reduce_max3A_175 : vector<512xi32> to vector<512x1xi32>
    %and3A_177 = arith.constant 511 : i32
    %and3A_178 = vector.broadcast %and3A_177 : i32 to vector<512x1xi32>
    %and3A_179 = arith.andi %broadcast_in_dim3A_176, %and3A_178 : vector<512x1xi32>
    %sub3A_180 = arith.constant 511 : i32
    %sub3A_181 = vector.broadcast %sub3A_180 : i32 to vector<512x1xi32>
    %sub3A_182 = arith.subi %sub3A_181, %and3A_179 : vector<512x1xi32>
    %shift_right_arithmetic3A_183 = arith.constant 9 : i32
    %shift_right_arithmetic3A_184 = vector.broadcast %shift_right_arithmetic3A_183 : i32 to vector<512x1xi32>
    %shift_right_arithmetic3A_185 = arith.shrsi %broadcast_in_dim3A_176, %shift_right_arithmetic3A_184 : vector<512x1xi32>
    %add3A_186 = arith.constant 4194304 : i32
    %add3A_187 = vector.broadcast %add3A_186 : i32 to vector<512x1xi32>
    %add3A_188 = arith.addi %shift_right_arithmetic3A_185, %add3A_187 : vector<512x1xi32>
    %convert_element_type3A_189 = arith.sitofp %add3A_188 : vector<512x1xi32> to vector<512x1xf32>
    %mul3A_190 = arith.constant 1.1920929E-7 : f32
    %mul3A_191 = vector.broadcast %mul3A_190 : f32 to vector<512x1xf32>
    %mul3A_192 = arith.mulf %convert_element_type3A_189, %mul3A_191 : vector<512x1xf32>
    %eq3A_193 = vector.broadcast %broadcast_in_dim3A_176 : vector<512x1xi32> to vector<512x512xi32>
    %eq3A_194 = arith.cmpi eq, %select_n3A_173, %eq3A_193 : vector<512x512xi32>
    %jit3A_195 = arith.constant -2147483648 : i32
    %broadcast_in_dim3A_196 = vector.broadcast %jit3A_195 : i32 to vector<512x512xi32>
    %select_n3A_197 = arith.select %eq3A_194, %broadcast_in_dim3A_196, %select_n3A_173 : vector<512x512xi1>, vector<512x512xi32>
    %reduce_max3A_198 = arith.constant dense<-2147483648> : vector<512xi32>
    %reduce_max3A_199 = vector.multi_reduction <maxsi>, %select_n3A_197, %reduce_max3A_198 [1] : vector<512x512xi32> to vector<512xi32>
    %broadcast_in_dim3A_200 = vector.shape_cast %reduce_max3A_199 : vector<512xi32> to vector<512x1xi32>
    %and3A_201 = arith.constant 511 : i32
    %and3A_202 = vector.broadcast %and3A_201 : i32 to vector<512x1xi32>
    %and3A_203 = arith.andi %broadcast_in_dim3A_200, %and3A_202 : vector<512x1xi32>
    %sub3A_204 = arith.constant 511 : i32
    %sub3A_205 = vector.broadcast %sub3A_204 : i32 to vector<512x1xi32>
    %sub3A_206 = arith.subi %sub3A_205, %and3A_203 : vector<512x1xi32>
    %shift_right_arithmetic3A_207 = arith.constant 9 : i32
    %shift_right_arithmetic3A_208 = vector.broadcast %shift_right_arithmetic3A_207 : i32 to vector<512x1xi32>
    %shift_right_arithmetic3A_209 = arith.shrsi %broadcast_in_dim3A_200, %shift_right_arithmetic3A_208 : vector<512x1xi32>
    %add3A_210 = arith.constant 4194304 : i32
    %add3A_211 = vector.broadcast %add3A_210 : i32 to vector<512x1xi32>
    %add3A_212 = arith.addi %shift_right_arithmetic3A_209, %add3A_211 : vector<512x1xi32>
    %convert_element_type3A_213 = arith.sitofp %add3A_212 : vector<512x1xi32> to vector<512x1xf32>
    %mul3A_214 = arith.constant 1.1920929E-7 : f32
    %mul3A_215 = vector.broadcast %mul3A_214 : f32 to vector<512x1xf32>
    %mul3A_216 = arith.mulf %convert_element_type3A_213, %mul3A_215 : vector<512x1xf32>
    %eq3A_217 = vector.broadcast %broadcast_in_dim3A_200 : vector<512x1xi32> to vector<512x512xi32>
    %eq3A_218 = arith.cmpi eq, %select_n3A_197, %eq3A_217 : vector<512x512xi32>
    %jit3A_219 = arith.constant -2147483648 : i32
    %broadcast_in_dim3A_220 = vector.broadcast %jit3A_219 : i32 to vector<512x512xi32>
    %select_n3A_221 = arith.select %eq3A_218, %broadcast_in_dim3A_220, %select_n3A_197 : vector<512x512xi1>, vector<512x512xi32>
    %reduce_max3A_222 = arith.constant dense<-2147483648> : vector<512xi32>
    %reduce_max3A_223 = vector.multi_reduction <maxsi>, %select_n3A_221, %reduce_max3A_222 [1] : vector<512x512xi32> to vector<512xi32>
    %broadcast_in_dim3A_224 = vector.shape_cast %reduce_max3A_223 : vector<512xi32> to vector<512x1xi32>
    %and3A_225 = arith.constant 511 : i32
    %and3A_226 = vector.broadcast %and3A_225 : i32 to vector<512x1xi32>
    %and3A_227 = arith.andi %broadcast_in_dim3A_224, %and3A_226 : vector<512x1xi32>
    %sub3A_228 = arith.constant 511 : i32
    %sub3A_229 = vector.broadcast %sub3A_228 : i32 to vector<512x1xi32>
    %sub3A_230 = arith.subi %sub3A_229, %and3A_227 : vector<512x1xi32>
    %shift_right_arithmetic3A_231 = arith.constant 9 : i32
    %shift_right_arithmetic3A_232 = vector.broadcast %shift_right_arithmetic3A_231 : i32 to vector<512x1xi32>
    %shift_right_arithmetic3A_233 = arith.shrsi %broadcast_in_dim3A_224, %shift_right_arithmetic3A_232 : vector<512x1xi32>
    %add3A_234 = arith.constant 4194304 : i32
    %add3A_235 = vector.broadcast %add3A_234 : i32 to vector<512x1xi32>
    %add3A_236 = arith.addi %shift_right_arithmetic3A_233, %add3A_235 : vector<512x1xi32>
    %convert_element_type3A_237 = arith.sitofp %add3A_236 : vector<512x1xi32> to vector<512x1xf32>
    %mul3A_238 = arith.constant 1.1920929E-7 : f32
    %mul3A_239 = vector.broadcast %mul3A_238 : f32 to vector<512x1xf32>
    %mul3A_240 = arith.mulf %convert_element_type3A_237, %mul3A_239 : vector<512x1xf32>
    %eq3A_241 = vector.broadcast %broadcast_in_dim3A_224 : vector<512x1xi32> to vector<512x512xi32>
    %eq3A_242 = arith.cmpi eq, %select_n3A_221, %eq3A_241 : vector<512x512xi32>
    %jit3A_243 = arith.constant -2147483648 : i32
    %broadcast_in_dim3A_244 = vector.broadcast %jit3A_243 : i32 to vector<512x512xi32>
    %select_n3A_245 = arith.select %eq3A_242, %broadcast_in_dim3A_244, %select_n3A_221 : vector<512x512xi1>, vector<512x512xi32>
    %reduce_max3A_246 = arith.constant dense<-2147483648> : vector<512xi32>
    %reduce_max3A_247 = vector.multi_reduction <maxsi>, %select_n3A_245, %reduce_max3A_246 [1] : vector<512x512xi32> to vector<512xi32>
    %broadcast_in_dim3A_248 = vector.shape_cast %reduce_max3A_247 : vector<512xi32> to vector<512x1xi32>
    %and3A_249 = arith.constant 511 : i32
    %and3A_250 = vector.broadcast %and3A_249 : i32 to vector<512x1xi32>
    %and3A_251 = arith.andi %broadcast_in_dim3A_248, %and3A_250 : vector<512x1xi32>
    %sub3A_252 = arith.constant 511 : i32
    %sub3A_253 = vector.broadcast %sub3A_252 : i32 to vector<512x1xi32>
    %sub3A_254 = arith.subi %sub3A_253, %and3A_251 : vector<512x1xi32>
    %shift_right_arithmetic3A_255 = arith.constant 9 : i32
    %shift_right_arithmetic3A_256 = vector.broadcast %shift_right_arithmetic3A_255 : i32 to vector<512x1xi32>
    %shift_right_arithmetic3A_257 = arith.shrsi %broadcast_in_dim3A_248, %shift_right_arithmetic3A_256 : vector<512x1xi32>
    %add3A_258 = arith.constant 4194304 : i32
    %add3A_259 = vector.broadcast %add3A_258 : i32 to vector<512x1xi32>
    %add3A_260 = arith.addi %shift_right_arithmetic3A_257, %add3A_259 : vector<512x1xi32>
    %convert_element_type3A_261 = arith.sitofp %add3A_260 : vector<512x1xi32> to vector<512x1xf32>
    %mul3A_262 = arith.constant 1.1920929E-7 : f32
    %mul3A_263 = vector.broadcast %mul3A_262 : f32 to vector<512x1xf32>
    %mul3A_264 = arith.mulf %convert_element_type3A_261, %mul3A_263 : vector<512x1xf32>
    %eq3A_265 = vector.broadcast %broadcast_in_dim3A_248 : vector<512x1xi32> to vector<512x512xi32>
    %eq3A_266 = arith.cmpi eq, %select_n3A_245, %eq3A_265 : vector<512x512xi32>
    %jit3A_267 = arith.constant -2147483648 : i32
    %broadcast_in_dim3A_268 = vector.broadcast %jit3A_267 : i32 to vector<512x512xi32>
    %select_n3A_269 = arith.select %eq3A_266, %broadcast_in_dim3A_268, %select_n3A_245 : vector<512x512xi1>, vector<512x512xi32>
    %reduce_max3A_270 = arith.constant dense<-2147483648> : vector<512xi32>
    %reduce_max3A_271 = vector.multi_reduction <maxsi>, %select_n3A_269, %reduce_max3A_270 [1] : vector<512x512xi32> to vector<512xi32>
    %broadcast_in_dim3A_272 = vector.shape_cast %reduce_max3A_271 : vector<512xi32> to vector<512x1xi32>
    %and3A_273 = arith.constant 511 : i32
    %and3A_274 = vector.broadcast %and3A_273 : i32 to vector<512x1xi32>
    %and3A_275 = arith.andi %broadcast_in_dim3A_272, %and3A_274 : vector<512x1xi32>
    %sub3A_276 = arith.constant 511 : i32
    %sub3A_277 = vector.broadcast %sub3A_276 : i32 to vector<512x1xi32>
    %sub3A_278 = arith.subi %sub3A_277, %and3A_275 : vector<512x1xi32>
    %shift_right_arithmetic3A_279 = arith.constant 9 : i32
    %shift_right_arithmetic3A_280 = vector.broadcast %shift_right_arithmetic3A_279 : i32 to vector<512x1xi32>
    %shift_right_arithmetic3A_281 = arith.shrsi %broadcast_in_dim3A_272, %shift_right_arithmetic3A_280 : vector<512x1xi32>
    %add3A_282 = arith.constant 4194304 : i32
    %add3A_283 = vector.broadcast %add3A_282 : i32 to vector<512x1xi32>
    %add3A_284 = arith.addi %shift_right_arithmetic3A_281, %add3A_283 : vector<512x1xi32>
    %convert_element_type3A_285 = arith.sitofp %add3A_284 : vector<512x1xi32> to vector<512x1xf32>
    %mul3A_286 = arith.constant 1.1920929E-7 : f32
    %mul3A_287 = vector.broadcast %mul3A_286 : f32 to vector<512x1xf32>
    %mul3A_288 = arith.mulf %convert_element_type3A_285, %mul3A_287 : vector<512x1xf32>
    %eq3A_289 = vector.broadcast %broadcast_in_dim3A_272 : vector<512x1xi32> to vector<512x512xi32>
    %eq3A_290 = arith.cmpi eq, %select_n3A_269, %eq3A_289 : vector<512x512xi32>
    %jit3A_291 = arith.constant -2147483648 : i32
    %broadcast_in_dim3A_292 = vector.broadcast %jit3A_291 : i32 to vector<512x512xi32>
    %select_n3A_293 = arith.select %eq3A_290, %broadcast_in_dim3A_292, %select_n3A_269 : vector<512x512xi1>, vector<512x512xi32>
    %reduce_max3A_294 = arith.constant dense<-2147483648> : vector<512xi32>
    %reduce_max3A_295 = vector.multi_reduction <maxsi>, %select_n3A_293, %reduce_max3A_294 [1] : vector<512x512xi32> to vector<512xi32>
    %broadcast_in_dim3A_296 = vector.shape_cast %reduce_max3A_295 : vector<512xi32> to vector<512x1xi32>
    %and3A_297 = arith.constant 511 : i32
    %and3A_298 = vector.broadcast %and3A_297 : i32 to vector<512x1xi32>
    %and3A_299 = arith.andi %broadcast_in_dim3A_296, %and3A_298 : vector<512x1xi32>
    %sub3A_300 = arith.constant 511 : i32
    %sub3A_301 = vector.broadcast %sub3A_300 : i32 to vector<512x1xi32>
    %sub3A_302 = arith.subi %sub3A_301, %and3A_299 : vector<512x1xi32>
    %shift_right_arithmetic3A_303 = arith.constant 9 : i32
    %shift_right_arithmetic3A_304 = vector.broadcast %shift_right_arithmetic3A_303 : i32 to vector<512x1xi32>
    %shift_right_arithmetic3A_305 = arith.shrsi %broadcast_in_dim3A_296, %shift_right_arithmetic3A_304 : vector<512x1xi32>
    %add3A_306 = arith.constant 4194304 : i32
    %add3A_307 = vector.broadcast %add3A_306 : i32 to vector<512x1xi32>
    %add3A_308 = arith.addi %shift_right_arithmetic3A_305, %add3A_307 : vector<512x1xi32>
    %convert_element_type3A_309 = arith.sitofp %add3A_308 : vector<512x1xi32> to vector<512x1xf32>
    %mul3A_310 = arith.constant 1.1920929E-7 : f32
    %mul3A_311 = vector.broadcast %mul3A_310 : f32 to vector<512x1xf32>
    %mul3A_312 = arith.mulf %convert_element_type3A_309, %mul3A_311 : vector<512x1xf32>
    %eq3A_313 = vector.broadcast %broadcast_in_dim3A_296 : vector<512x1xi32> to vector<512x512xi32>
    %eq3A_314 = arith.cmpi eq, %select_n3A_293, %eq3A_313 : vector<512x512xi32>
    %jit3A_315 = arith.constant -2147483648 : i32
    %broadcast_in_dim3A_316 = vector.broadcast %jit3A_315 : i32 to vector<512x512xi32>
    %select_n3A_317 = arith.select %eq3A_314, %broadcast_in_dim3A_316, %select_n3A_293 : vector<512x512xi1>, vector<512x512xi32>
    %reduce_max3A_318 = arith.constant dense<-2147483648> : vector<512xi32>
    %reduce_max3A_319 = vector.multi_reduction <maxsi>, %select_n3A_317, %reduce_max3A_318 [1] : vector<512x512xi32> to vector<512xi32>
    %broadcast_in_dim3A_320 = vector.shape_cast %reduce_max3A_319 : vector<512xi32> to vector<512x1xi32>
    %and3A_321 = arith.constant 511 : i32
    %and3A_322 = vector.broadcast %and3A_321 : i32 to vector<512x1xi32>
    %and3A_323 = arith.andi %broadcast_in_dim3A_320, %and3A_322 : vector<512x1xi32>
    %sub3A_324 = arith.constant 511 : i32
    %sub3A_325 = vector.broadcast %sub3A_324 : i32 to vector<512x1xi32>
    %sub3A_326 = arith.subi %sub3A_325, %and3A_323 : vector<512x1xi32>
    %shift_right_arithmetic3A_327 = arith.constant 9 : i32
    %shift_right_arithmetic3A_328 = vector.broadcast %shift_right_arithmetic3A_327 : i32 to vector<512x1xi32>
    %shift_right_arithmetic3A_329 = arith.shrsi %broadcast_in_dim3A_320, %shift_right_arithmetic3A_328 : vector<512x1xi32>
    %add3A_330 = arith.constant 4194304 : i32
    %add3A_331 = vector.broadcast %add3A_330 : i32 to vector<512x1xi32>
    %add3A_332 = arith.addi %shift_right_arithmetic3A_329, %add3A_331 : vector<512x1xi32>
    %convert_element_type3A_333 = arith.sitofp %add3A_332 : vector<512x1xi32> to vector<512x1xf32>
    %mul3A_334 = arith.constant 1.1920929E-7 : f32
    %mul3A_335 = vector.broadcast %mul3A_334 : f32 to vector<512x1xf32>
    %mul3A_336 = arith.mulf %convert_element_type3A_333, %mul3A_335 : vector<512x1xf32>
    %eq3A_337 = vector.broadcast %broadcast_in_dim3A_320 : vector<512x1xi32> to vector<512x512xi32>
    %eq3A_338 = arith.cmpi eq, %select_n3A_317, %eq3A_337 : vector<512x512xi32>
    %jit3A_339 = arith.constant -2147483648 : i32
    %broadcast_in_dim3A_340 = vector.broadcast %jit3A_339 : i32 to vector<512x512xi32>
    %select_n3A_341 = arith.select %eq3A_338, %broadcast_in_dim3A_340, %select_n3A_317 : vector<512x512xi1>, vector<512x512xi32>
    %reduce_max3A_342 = arith.constant dense<-2147483648> : vector<512xi32>
    %reduce_max3A_343 = vector.multi_reduction <maxsi>, %select_n3A_341, %reduce_max3A_342 [1] : vector<512x512xi32> to vector<512xi32>
    %broadcast_in_dim3A_344 = vector.shape_cast %reduce_max3A_343 : vector<512xi32> to vector<512x1xi32>
    %and3A_345 = arith.constant 511 : i32
    %and3A_346 = vector.broadcast %and3A_345 : i32 to vector<512x1xi32>
    %and3A_347 = arith.andi %broadcast_in_dim3A_344, %and3A_346 : vector<512x1xi32>
    %sub3A_348 = arith.constant 511 : i32
    %sub3A_349 = vector.broadcast %sub3A_348 : i32 to vector<512x1xi32>
    %sub3A_350 = arith.subi %sub3A_349, %and3A_347 : vector<512x1xi32>
    %shift_right_arithmetic3A_351 = arith.constant 9 : i32
    %shift_right_arithmetic3A_352 = vector.broadcast %shift_right_arithmetic3A_351 : i32 to vector<512x1xi32>
    %shift_right_arithmetic3A_353 = arith.shrsi %broadcast_in_dim3A_344, %shift_right_arithmetic3A_352 : vector<512x1xi32>
    %add3A_354 = arith.constant 4194304 : i32
    %add3A_355 = vector.broadcast %add3A_354 : i32 to vector<512x1xi32>
    %add3A_356 = arith.addi %shift_right_arithmetic3A_353, %add3A_355 : vector<512x1xi32>
    %convert_element_type3A_357 = arith.sitofp %add3A_356 : vector<512x1xi32> to vector<512x1xf32>
    %mul3A_358 = arith.constant 1.1920929E-7 : f32
    %mul3A_359 = vector.broadcast %mul3A_358 : f32 to vector<512x1xf32>
    %mul3A_360 = arith.mulf %convert_element_type3A_357, %mul3A_359 : vector<512x1xf32>
    %eq3A_361 = vector.broadcast %broadcast_in_dim3A_344 : vector<512x1xi32> to vector<512x512xi32>
    %eq3A_362 = arith.cmpi eq, %select_n3A_341, %eq3A_361 : vector<512x512xi32>
    %jit3A_363 = arith.constant -2147483648 : i32
    %broadcast_in_dim3A_364 = vector.broadcast %jit3A_363 : i32 to vector<512x512xi32>
    %select_n3A_365 = arith.select %eq3A_362, %broadcast_in_dim3A_364, %select_n3A_341 : vector<512x512xi1>, vector<512x512xi32>
    %reduce_max3A_366 = arith.constant dense<-2147483648> : vector<512xi32>
    %reduce_max3A_367 = vector.multi_reduction <maxsi>, %select_n3A_365, %reduce_max3A_366 [1] : vector<512x512xi32> to vector<512xi32>
    %broadcast_in_dim3A_368 = vector.shape_cast %reduce_max3A_367 : vector<512xi32> to vector<512x1xi32>
    %and3A_369 = arith.constant 511 : i32
    %and3A_370 = vector.broadcast %and3A_369 : i32 to vector<512x1xi32>
    %and3A_371 = arith.andi %broadcast_in_dim3A_368, %and3A_370 : vector<512x1xi32>
    %sub3A_372 = arith.constant 511 : i32
    %sub3A_373 = vector.broadcast %sub3A_372 : i32 to vector<512x1xi32>
    %sub3A_374 = arith.subi %sub3A_373, %and3A_371 : vector<512x1xi32>
    %shift_right_arithmetic3A_375 = arith.constant 9 : i32
    %shift_right_arithmetic3A_376 = vector.broadcast %shift_right_arithmetic3A_375 : i32 to vector<512x1xi32>
    %shift_right_arithmetic3A_377 = arith.shrsi %broadcast_in_dim3A_368, %shift_right_arithmetic3A_376 : vector<512x1xi32>
    %add3A_378 = arith.constant 4194304 : i32
    %add3A_379 = vector.broadcast %add3A_378 : i32 to vector<512x1xi32>
    %add3A_380 = arith.addi %shift_right_arithmetic3A_377, %add3A_379 : vector<512x1xi32>
    %convert_element_type3A_381 = arith.sitofp %add3A_380 : vector<512x1xi32> to vector<512x1xf32>
    %mul3A_382 = arith.constant 1.1920929E-7 : f32
    %mul3A_383 = vector.broadcast %mul3A_382 : f32 to vector<512x1xf32>
    %mul3A_384 = arith.mulf %convert_element_type3A_381, %mul3A_383 : vector<512x1xf32>
    %concatenate3A = tpu.concatenate %mul3A_27, %mul3A_48, %mul3A_72, %mul3A_96, %mul3A_120, %mul3A_144, %mul3A_168, %mul3A_192, %mul3A_216, %mul3A_240, %mul3A_264, %mul3A_288, %mul3A_312, %mul3A_336, %mul3A_360, %mul3A_384 in 1 : vector<512x1xf32>, vector<512x1xf32>, vector<512x1xf32>, vector<512x1xf32>, vector<512x1xf32>, vector<512x1xf32>, vector<512x1xf32>, vector<512x1xf32>, vector<512x1xf32>, vector<512x1xf32>, vector<512x1xf32>, vector<512x1xf32>, vector<512x1xf32>, vector<512x1xf32>, vector<512x1xf32>, vector<512x1xf32> -> vector<512x16xf32>
    %swap3A = arith.constant 0 : index
    %swap3A_385 = arith.constant 0 : index
    %swap3A_386 = arith.constant 0 : index
    %swap3A_387 = vector.load %arg4[%swap3A, %swap3A_385, %swap3A_386] : memref<1x512x16xf32, #tpu.memory_space<vmem>>, vector<1x512x16xf32>
    %swap3A_388 = vector.shape_cast %swap3A_387 : vector<1x512x16xf32> to vector<512x16xf32>
    %swap3A_389 = vector.shape_cast %concatenate3A : vector<512x16xf32> to vector<1x512x16xf32>
    tpu.vector_store %arg4[%swap3A, %swap3A_385, %swap3A_386], %swap3A_389 {strides = array<i32>} : memref<1x512x16xf32, #tpu.memory_space<vmem>>, vector<1x512x16xf32>,
    %concatenate3A_390 = tpu.concatenate %sub3A_19, %sub3A_38, %sub3A_62, %sub3A_86, %sub3A_110, %sub3A_134, %sub3A_158, %sub3A_182, %sub3A_206, %sub3A_230, %sub3A_254, %sub3A_278, %sub3A_302, %sub3A_326, %sub3A_350, %sub3A_374 in 1 : vector<512x1xi32>, vector<512x1xi32>, vector<512x1xi32>, vector<512x1xi32>, vector<512x1xi32>, vector<512x1xi32>, vector<512x1xi32>, vector<512x1xi32>, vector<512x1xi32>, vector<512x1xi32>, vector<512x1xi32>, vector<512x1xi32>, vector<512x1xi32>, vector<512x1xi32>, vector<512x1xi32>, vector<512x1xi32> -> vector<512x16xi32>
    %swap3A_391 = arith.constant 0 : index
    %swap3A_392 = arith.constant 0 : index
    %swap3A_393 = arith.constant 0 : index
    %swap3A_394 = vector.load %arg5[%swap3A_391, %swap3A_392, %swap3A_393] : memref<1x512x16xi32, #tpu.memory_space<vmem>>, vector<1x512x16xi32>
    %swap3A_395 = vector.shape_cast %swap3A_394 : vector<1x512x16xi32> to vector<512x16xi32>
    %swap3A_396 = vector.shape_cast %concatenate3A_390 : vector<512x16xi32> to vector<1x512x16xi32>
    tpu.vector_store %arg5[%swap3A_391, %swap3A_392, %swap3A_393], %swap3A_396 {strides = array<i32>} : memref<1x512x16xi32, #tpu.memory_space<vmem>>, vector<1x512x16xi32>,
    %get3A_397 = arith.constant 0 : index
    %get3A_398 = arith.constant 0 : index
    %get3A_399 = arith.constant 0 : index
    %get3A_400 = vector.load %arg2[%get3A_397, %get3A_398, %get3A_399] : memref<1x1x512xi32, #tpu.memory_space<vmem>>, vector<1x1x512xi32>
    %get3A_401 = vector.shape_cast %get3A_400 : vector<1x1x512xi32> to vector<1x512xi32>
    %get3A_402 = arith.constant 0 : index
    %get3A_403 = arith.constant 0 : index
    %get3A_404 = arith.constant 0 : index
    %get3A_405 = vector.load %arg3[%get3A_402, %get3A_403, %get3A_404] : memref<1x512x128xi32, #tpu.memory_space<vmem>>, vector<1x512x128xi32>
    %get3A_406 = vector.shape_cast %get3A_405 : vector<1x512x128xi32> to vector<512x128xi32>
    %slice3A = vector.extract_strided_slice %get3A_406 {offsets = [0, 0], sizes = [512, 1], strides = [1, 1]} : vector<512x128xi32> to vector<512x1xi32>
    %eq3A_407 = vector.broadcast %slice3A : vector<512x1xi32> to vector<512x512xi32>
    %eq3A_408 = vector.broadcast %get3A_401 : vector<1x512xi32> to vector<512x512xi32>
    %eq3A_409 = arith.cmpi eq, %eq3A_407, %eq3A_408 : vector<512x512xi32>
    %jit3A_410 = arith.constant 512 : i32
    %broadcast_in_dim3A_411 = vector.broadcast %jit3A_410 : i32 to vector<512x512xi32>
    %select_n3A_412 = arith.select %eq3A_409, %iota3A, %broadcast_in_dim3A_411 : vector<512x512xi1>, vector<512x512xi32>
    %reduce_min3A = arith.constant dense<2147483647> : vector<512xi32>
    %reduce_min3A_413 = vector.multi_reduction <minsi>, %select_n3A_412, %reduce_min3A [1] : vector<512x512xi32> to vector<512xi32>
    %broadcast_in_dim3A_414 = vector.shape_cast %reduce_min3A_413 : vector<512xi32> to vector<512x1xi32>
    %jit3A_415 = arith.constant 512 : i32
    %broadcast_in_dim3A_416 = vector.broadcast %jit3A_415 : i32 to vector<512x512xi32>
    %select_n3A_417 = arith.select %eq3A_409, %iota3A_4, %broadcast_in_dim3A_416 : vector<512x512xi1>, vector<512x512xi32>
    %reduce_min3A_418 = arith.constant dense<2147483647> : vector<512xi32>
    %reduce_min3A_419 = vector.multi_reduction <minsi>, %select_n3A_417, %reduce_min3A_418 [0] : vector<512x512xi32> to vector<512xi32>
    %broadcast_in_dim3A_420 = vector.shape_cast %reduce_min3A_419 : vector<512xi32> to vector<1x512xi32>
    %lt3A = arith.cmpi slt, %iota3A, %iota3A_4 : vector<512x512xi32>
    %and3A_421 = arith.andi %eq3A_409, %lt3A : vector<512x512xi1>
    %jit3A_422 = arith.constant 1 : i32
    %jit3A_423 = arith.constant 0 : i32
    %broadcast_in_dim3A_424 = vector.broadcast %jit3A_422 : i32 to vector<512x512xi32>
    %broadcast_in_dim3A_425 = vector.broadcast %jit3A_423 : i32 to vector<512x512xi32>
    %select_n3A_426 = arith.select %and3A_421, %broadcast_in_dim3A_424, %broadcast_in_dim3A_425 : vector<512x512xi1>, vector<512x512xi32>
    %reduce_sum3A = arith.constant dense<0> : vector<512xi32>
    %reduce_sum3A_427 = vector.multi_reduction <add>, %select_n3A_426, %reduce_sum3A [1] : vector<512x512xi32> to vector<512xi32>
    %broadcast_in_dim3A_428 = vector.shape_cast %reduce_sum3A_427 : vector<512xi32> to vector<512x1xi32>
    %lt3A_429 = vector.broadcast %broadcast_in_dim3A_420 : vector<1x512xi32> to vector<512x512xi32>
    %lt3A_430 = vector.broadcast %broadcast_in_dim3A_414 : vector<512x1xi32> to vector<512x512xi32>
    %lt3A_431 = arith.cmpi slt, %lt3A_429, %lt3A_430 : vector<512x512xi32>
    %jit3A_432 = arith.constant 1 : i32
    %jit3A_433 = arith.constant 0 : i32
    %broadcast_in_dim3A_434 = vector.broadcast %jit3A_432 : i32 to vector<512x512xi32>
    %broadcast_in_dim3A_435 = vector.broadcast %jit3A_433 : i32 to vector<512x512xi32>
    %select_n3A_436 = arith.select %lt3A_431, %broadcast_in_dim3A_434, %broadcast_in_dim3A_435 : vector<512x512xi1>, vector<512x512xi32>
    %reduce_sum3A_437 = arith.constant dense<0> : vector<512xi32>
    %reduce_sum3A_438 = vector.multi_reduction <add>, %select_n3A_436, %reduce_sum3A_437 [1] : vector<512x512xi32> to vector<512xi32>
    %broadcast_in_dim3A_439 = vector.shape_cast %reduce_sum3A_438 : vector<512xi32> to vector<512x1xi32>
    %add3A_440 = arith.addi %broadcast_in_dim3A_439, %broadcast_in_dim3A_428 : vector<512x1xi32>
    %eq3A_441 = vector.broadcast %broadcast_in_dim3A_414 : vector<512x1xi32> to vector<512x512xi32>
    %eq3A_442 = arith.cmpi eq, %eq3A_441, %iota3A : vector<512x512xi32>
    %jit3A_443 = arith.constant 1 : i32
    %jit3A_444 = arith.constant 0 : i32
    %broadcast_in_dim3A_445 = vector.broadcast %jit3A_443 : i32 to vector<512x512xi32>
    %broadcast_in_dim3A_446 = vector.broadcast %jit3A_444 : i32 to vector<512x512xi32>
    %select_n3A_447 = arith.select %eq3A_442, %broadcast_in_dim3A_445, %broadcast_in_dim3A_446 : vector<512x512xi1>, vector<512x512xi32>
    %reduce_sum3A_448 = arith.constant dense<0> : vector<512xi32>
    %reduce_sum3A_449 = vector.multi_reduction <add>, %select_n3A_447, %reduce_sum3A_448 [0] : vector<512x512xi32> to vector<512xi32>
    %broadcast_in_dim3A_450 = vector.shape_cast %reduce_sum3A_449 : vector<512xi32> to vector<1x512xi32>
    %swap3A_451 = arith.constant 0 : index
    %swap3A_452 = arith.constant 0 : index
    %swap3A_453 = arith.constant 0 : index
    %swap3A_454 = vector.load %arg6[%swap3A_451, %swap3A_452, %swap3A_453] : memref<1x1x512xi32, #tpu.memory_space<vmem>>, vector<1x1x512xi32>
    %swap3A_455 = vector.shape_cast %swap3A_454 : vector<1x1x512xi32> to vector<1x512xi32>
    %swap3A_456 = vector.shape_cast %broadcast_in_dim3A_450 : vector<1x512xi32> to vector<1x1x512xi32>
    tpu.vector_store %arg6[%swap3A_451, %swap3A_452, %swap3A_453], %swap3A_456 {strides = array<i32>} : memref<1x1x512xi32, #tpu.memory_space<vmem>>, vector<1x1x512xi32>,
    %lt3A_457 = vector.broadcast %broadcast_in_dim3A_414 : vector<512x1xi32> to vector<512x512xi32>
    %lt3A_458 = arith.cmpi slt, %lt3A_457, %iota3A : vector<512x512xi32>
    %jit3A_459 = arith.constant 1 : i32
    %jit3A_460 = arith.constant 0 : i32
    %broadcast_in_dim3A_461 = vector.broadcast %jit3A_459 : i32 to vector<512x512xi32>
    %broadcast_in_dim3A_462 = vector.broadcast %jit3A_460 : i32 to vector<512x512xi32>
    %select_n3A_463 = arith.select %lt3A_458, %broadcast_in_dim3A_461, %broadcast_in_dim3A_462 : vector<512x512xi1>, vector<512x512xi32>
    %reduce_sum3A_464 = arith.constant dense<0> : vector<512xi32>
    %reduce_sum3A_465 = vector.multi_reduction <add>, %select_n3A_463, %reduce_sum3A_464 [0] : vector<512x512xi32> to vector<512xi32>
    %broadcast_in_dim3A_466 = vector.shape_cast %reduce_sum3A_465 : vector<512xi32> to vector<1x512xi32>
    %swap3A_467 = arith.constant 0 : index
    %swap3A_468 = arith.constant 0 : index
    %swap3A_469 = arith.constant 0 : index
    %swap3A_470 = vector.load %arg7[%swap3A_467, %swap3A_468, %swap3A_469] : memref<1x1x512xi32, #tpu.memory_space<vmem>>, vector<1x1x512xi32>
    %swap3A_471 = vector.shape_cast %swap3A_470 : vector<1x1x512xi32> to vector<1x512xi32>
    %swap3A_472 = vector.shape_cast %broadcast_in_dim3A_466 : vector<1x512xi32> to vector<1x1x512xi32>
    tpu.vector_store %arg7[%swap3A_467, %swap3A_468, %swap3A_469], %swap3A_472 {strides = array<i32>} : memref<1x1x512xi32, #tpu.memory_space<vmem>>, vector<1x1x512xi32>,
    %eq3A_473 = vector.broadcast %add3A_440 : vector<512x1xi32> to vector<512x512xi32>
    %eq3A_474 = arith.cmpi eq, %eq3A_473, %iota3A : vector<512x512xi32>
    %jit3A_475 = arith.constant 0 : i32
    %broadcast_in_dim3A_476 = vector.broadcast %jit3A_475 : i32 to vector<512x512xi32>
    %select_n3A_477 = arith.select %eq3A_474, %iota3A_4, %broadcast_in_dim3A_476 : vector<512x512xi1>, vector<512x512xi32>
    %reduce_sum3A_478 = arith.constant dense<0> : vector<512xi32>
    %reduce_sum3A_479 = vector.multi_reduction <add>, %select_n3A_477, %reduce_sum3A_478 [0] : vector<512x512xi32> to vector<512xi32>
    %broadcast_in_dim3A_480 = vector.shape_cast %reduce_sum3A_479 : vector<512xi32> to vector<1x512xi32>
    %swap3A_481 = arith.constant 0 : index
    %swap3A_482 = arith.constant 0 : index
    %swap3A_483 = arith.constant 0 : index
    %swap3A_484 = vector.load %arg8[%swap3A_481, %swap3A_482, %swap3A_483] : memref<1x1x512xi32, #tpu.memory_space<vmem>>, vector<1x1x512xi32>
    %swap3A_485 = vector.shape_cast %swap3A_484 : vector<1x1x512xi32> to vector<1x512xi32>
    %swap3A_486 = vector.shape_cast %broadcast_in_dim3A_480 : vector<1x512xi32> to vector<1x1x512xi32>
    tpu.vector_store %arg8[%swap3A_481, %swap3A_482, %swap3A_483], %swap3A_486 {strides = array<i32>} : memref<1x1x512xi32, #tpu.memory_space<vmem>>, vector<1x1x512xi32>,
    return
  }
  func.func @transform_0(%arg0: i32) -> (i32, i32, i32) {
    %c0_i32 = arith.constant 0 : i32
    %c0_i32_0 = arith.constant 0 : i32
    %c0_i32_1 = arith.constant 0 : i32
    return %arg0, %c0_i32, %c0_i32_0 : i32, i32, i32
  }
  func.func @transform_1(%arg0: i32) -> (i32, i32, i32) {
    %c0_i32 = arith.constant 0 : i32
    %c0_i32_0 = arith.constant 0 : i32
    %c0_i32_1 = arith.constant 0 : i32
    return %arg0, %c0_i32, %c0_i32_0 : i32, i32, i32
  }
  func.func @transform_2(%arg0: i32) -> (i32, i32, i32) {
    %c0_i32 = arith.constant 0 : i32
    %c0_i32_0 = arith.constant 0 : i32
    %c0_i32_1 = arith.constant 0 : i32
    return %arg0, %c0_i32, %c0_i32_0 : i32, i32, i32
  }
  func.func @transform_3(%arg0: i32) -> (i32, i32, i32) {
    %c0_i32 = arith.constant 0 : i32
    %c0_i32_0 = arith.constant 0 : i32
    %c0_i32_1 = arith.constant 0 : i32
    return %arg0, %c0_i32, %c0_i32_0 : i32, i32, i32
  }
  func.func @transform_4(%arg0: i32) -> (i32, i32, i32) {
    %c0_i32 = arith.constant 0 : i32
    %c0_i32_0 = arith.constant 0 : i32
    %c0_i32_1 = arith.constant 0 : i32
    return %arg0, %c0_i32, %c0_i32_0 : i32, i32, i32
  }
  func.func @transform_5(%arg0: i32) -> (i32, i32, i32) {
    %c0_i32 = arith.constant 0 : i32
    %c0_i32_0 = arith.constant 0 : i32
    %c0_i32_1 = arith.constant 0 : i32
    return %arg0, %c0_i32, %c0_i32_0 : i32, i32, i32
  }
  func.func @transform_6(%arg0: i32) -> (i32, i32, i32) {
    %c0_i32 = arith.constant 0 : i32
    %c0_i32_0 = arith.constant 0 : i32
    %c0_i32_1 = arith.constant 0 : i32
    return %arg0, %c0_i32, %c0_i32_0 : i32, i32, i32
  }
  func.func @transform_7(%arg0: i32) -> (i32, i32, i32) {
    %c0_i32 = arith.constant 0 : i32
    %c0_i32_0 = arith.constant 0 : i32
    %c0_i32_1 = arith.constant 0 : i32
    return %arg0, %c0_i32, %c0_i32_0 : i32, i32, i32
  }
}

module attributes {stable_mosaic.version = 14 : i64} {
  func.func @_cd_body(%arg0: i32, %arg1: i32, %arg2: memref<1x256x2048xf32, #tpu.memory_space<vmem>>, %arg3: memref<1x512x2048xf32, #tpu.memory_space<vmem>>, %arg4: memref<1x1x512xi32, #tpu.memory_space<vmem>>, %arg5: memref<256x256xf32, #tpu.memory_space<vmem>>, %arg6: memref<256x128xf32, #tpu.memory_space<vmem>>, %arg7: memref<256x256xf32, #tpu.memory_space<vmem>>, %arg8: memref<256x128xf32, #tpu.memory_space<vmem>>, %arg9: memref<256x128xf32, #tpu.memory_space<vmem>>, %arg10: memref<256x128xf32, #tpu.memory_space<vmem>>, %arg11: memref<1x256x2048xf32, #tpu.memory_space<vmem>>, %arg12: memref<4x256x2048xf32, #tpu.memory_space<vmem>>, %arg13: memref<256x8xf32, #tpu.memory_space<vmem>>) attributes {dimension_semantics = [#tpu.dimension_semantics<arbitrary>, #tpu.dimension_semantics<arbitrary>], iteration_bounds = array<i64: 2, 4>, scalar_prefetch = 0 : i64, scratch_operands = 2 : i64, tpu.core_type = #tpu.core_type<tc>, window_params = [{transform_indices = @transform_0, window_bounds = array<i64: 1, 256, 2048>}, {transform_indices = @transform_1, window_bounds = array<i64: 1, 512, 2048>}, {transform_indices = @transform_2, window_bounds = array<i64: 1, 1, 512>}, {pipeline_mode = #tpu.pipeline_mode<synchronous>, transform_indices = @transform_3, window_bounds = array<i64: 256, 256>}, {pipeline_mode = #tpu.pipeline_mode<synchronous>, transform_indices = @transform_4, window_bounds = array<i64: 256, 128>}, {pipeline_mode = #tpu.pipeline_mode<synchronous>, transform_indices = @transform_5, window_bounds = array<i64: 256, 256>}, {pipeline_mode = #tpu.pipeline_mode<synchronous>, transform_indices = @transform_6, window_bounds = array<i64: 256, 128>}, {pipeline_mode = #tpu.pipeline_mode<synchronous>, transform_indices = @transform_7, window_bounds = array<i64: 256, 128>}, {pipeline_mode = #tpu.pipeline_mode<synchronous>, transform_indices = @transform_8, window_bounds = array<i64: 256, 128>}, {transform_indices = @transform_9, window_bounds = array<i64: 1, 256, 2048>}]} {
    %eq3A = arith.constant 0 : i32
    %eq3A_0 = arith.cmpi eq, %arg0, %eq3A : i32
    %convert_element_type3A = arith.extui %eq3A_0 : i1 to i32
    %cond3A = arith.constant 0 : i32
    %cond3A_1 = arith.cmpi ne, %convert_element_type3A, %cond3A : i32
    scf.if %cond3A_1 {
      %get3A = arith.constant 0 : index
      %get3A_7 = arith.constant 0 : index
      %get3A_8 = arith.constant 0 : index
      %get3A_9 = vector.load %arg2[%get3A, %get3A_7, %get3A_8] : memref<1x256x2048xf32, #tpu.memory_space<vmem>>, vector<1x256x2048xf32>
      %get3A_10 = vector.shape_cast %get3A_9 : vector<1x256x2048xf32> to vector<256x2048xf32>
      %get3A_11 = arith.constant 0 : index
      %get3A_12 = arith.constant 0 : index
      %get3A_13 = arith.constant 0 : index
      %get3A_14 = vector.load %arg4[%get3A_11, %get3A_12, %get3A_13] : memref<1x1x512xi32, #tpu.memory_space<vmem>>, vector<1x1x512xi32>
      %get3A_15 = vector.shape_cast %get3A_14 : vector<1x1x512xi32> to vector<1x512xi32>
      %iota3A = tpu.iota {dimensions = array<i32: 0>} : vector<2048x512xi32>
      %eq3A_16 = vector.broadcast %get3A_15 : vector<1x512xi32> to vector<2048x512xi32>
      %eq3A_17 = arith.cmpi eq, %iota3A, %eq3A_16 : vector<2048x512xi32>
      %convert_element_type3A_18 = arith.extui %eq3A_17 : vector<2048x512xi1> to vector<2048x512xi32>
      %convert_element_type3A_19 = arith.sitofp %convert_element_type3A_18 : vector<2048x512xi32> to vector<2048x512xf32>
      %dot_general3A = arith.constant dense<0.000000e+00> : vector<256x512xf32>
      %dot_general3A_20 = tpu.matmul %get3A_10, %convert_element_type3A_19, %dot_general3A {dimension_numbers = #tpu.dot_dimension_numbers<[1], [0], [0], [1], [0, 0, 1, 1], [], []>, transpose_lhs_hint = false} : vector<256x2048xf32>, vector<2048x512xf32>, vector<256x512xf32> -> vector<256x512xf32>
      %get3A_21 = arith.constant 0 : index
      %get3A_22 = arith.constant 0 : index
      %get3A_23 = vector.load %arg5[%get3A_21, %get3A_22] : memref<256x256xf32, #tpu.memory_space<vmem>>, vector<256x256xf32>
      %dot_general3A_24 = arith.constant dense<0.000000e+00> : vector<256x512xf32>
      %dot_general3A_25 = tpu.matmul %get3A_23, %dot_general3A_20, %dot_general3A_24 {dimension_numbers = #tpu.dot_dimension_numbers<[1], [0], [0], [1], [0, 0, 1, 1], [], []>, transpose_lhs_hint = false} : vector<256x256xf32>, vector<256x512xf32>, vector<256x512xf32> -> vector<256x512xf32>
      %get3A_26 = arith.constant 0 : index
      %get3A_27 = arith.constant 0 : index
      %get3A_28 = vector.load %arg6[%get3A_26, %get3A_27] : memref<256x128xf32, #tpu.memory_space<vmem>>, vector<256x128xf32>
      %slice3A = vector.extract_strided_slice %get3A_28 {offsets = [0, 0], sizes = [256, 1], strides = [1, 1]} : vector<256x128xf32> to vector<256x1xf32>
      %add3A = vector.broadcast %slice3A : vector<256x1xf32> to vector<256x512xf32>
      %add3A_29 = arith.addf %dot_general3A_25, %add3A : vector<256x512xf32>
      %get3A_30 = arith.constant 0 : index
      %get3A_31 = arith.constant 0 : index
      %get3A_32 = arith.constant 0 : index
      %get3A_33 = vector.load %arg3[%get3A_30, %get3A_31, %get3A_32] : memref<1x512x2048xf32, #tpu.memory_space<vmem>>, vector<1x512x2048xf32>
      %get3A_34 = vector.shape_cast %get3A_33 : vector<1x512x2048xf32> to vector<512x2048xf32>
      %dot_general3A_35 = arith.constant dense<0.000000e+00> : vector<256x2048xf32>
      %dot_general3A_36 = tpu.matmul %add3A_29, %get3A_34, %dot_general3A_35 {dimension_numbers = #tpu.dot_dimension_numbers<[1], [0], [0], [1], [0, 0, 1, 1], [], []>, transpose_lhs_hint = false} : vector<256x512xf32>, vector<512x2048xf32>, vector<256x2048xf32> -> vector<256x2048xf32>
      %get3A_37 = arith.constant 0 : index
      %get3A_38 = arith.constant 0 : index
      %get3A_39 = vector.load %arg7[%get3A_37, %get3A_38] : memref<256x256xf32, #tpu.memory_space<vmem>>, vector<256x256xf32>
      %sub3A = arith.subf %get3A_10, %dot_general3A_36 : vector<256x2048xf32>
      %dot_general3A_40 = arith.constant dense<0.000000e+00> : vector<256x2048xf32>
      %dot_general3A_41 = tpu.matmul %get3A_39, %sub3A, %dot_general3A_40 {dimension_numbers = #tpu.dot_dimension_numbers<[1], [0], [0], [1], [0, 0, 1, 1], [], []>, transpose_lhs_hint = false} : vector<256x256xf32>, vector<256x2048xf32>, vector<256x2048xf32> -> vector<256x2048xf32>
      %get3A_42 = arith.constant 0 : index
      %get3A_43 = arith.constant 0 : index
      %get3A_44 = vector.load %arg8[%get3A_42, %get3A_43] : memref<256x128xf32, #tpu.memory_space<vmem>>, vector<256x128xf32>
      %slice3A_45 = vector.extract_strided_slice %get3A_44 {offsets = [0, 0], sizes = [256, 1], strides = [1, 1]} : vector<256x128xf32> to vector<256x1xf32>
      %add3A_46 = vector.broadcast %slice3A_45 : vector<256x1xf32> to vector<256x2048xf32>
      %add3A_47 = arith.addf %dot_general3A_41, %add3A_46 : vector<256x2048xf32>
      %swap3A = arith.index_cast %arg1 : i32 to index
      %swap3A_48 = arith.constant 0 : index
      %swap3A_49 = arith.constant 0 : index
      %swap3A_50 = vector.load %arg12[%swap3A, %swap3A_48, %swap3A_49] : memref<4x256x2048xf32, #tpu.memory_space<vmem>>, vector<1x256x2048xf32>
      %swap3A_51 = vector.shape_cast %swap3A_50 : vector<1x256x2048xf32> to vector<256x2048xf32>
      %swap3A_52 = vector.shape_cast %add3A_47 : vector<256x2048xf32> to vector<1x256x2048xf32>
      tpu.vector_store %arg12[%swap3A, %swap3A_48, %swap3A_49], %swap3A_52 {strides = array<i32>} : memref<4x256x2048xf32, #tpu.memory_space<vmem>>, vector<1x256x2048xf32>,
      %reduce_sum3A = arith.constant dense<0.000000e+00> : vector<256xf32>
      %reduce_sum3A_53 = vector.multi_reduction <add>, %add3A_47, %reduce_sum3A [1] : vector<256x2048xf32> to vector<256xf32>
      %broadcast_in_dim3A = vector.shape_cast %reduce_sum3A_53 : vector<256xf32> to vector<256x1xf32>
      %mul3A = arith.mulf %add3A_47, %add3A_47 : vector<256x2048xf32>
      %reduce_sum3A_54 = arith.constant dense<0.000000e+00> : vector<256xf32>
      %reduce_sum3A_55 = vector.multi_reduction <add>, %mul3A, %reduce_sum3A_54 [1] : vector<256x2048xf32> to vector<256xf32>
      %broadcast_in_dim3A_56 = vector.shape_cast %reduce_sum3A_55 : vector<256xf32> to vector<256x1xf32>
      %mul3A_57 = arith.constant 0.000000e+00 : f32
      %mul3A_58 = vector.broadcast %mul3A_57 : f32 to vector<256x1xf32>
      %mul3A_59 = arith.mulf %broadcast_in_dim3A, %mul3A_58 : vector<256x1xf32>
      %concatenate3A = tpu.concatenate %broadcast_in_dim3A, %broadcast_in_dim3A_56, %mul3A_59, %mul3A_59, %mul3A_59, %mul3A_59, %mul3A_59, %mul3A_59 in 1 : vector<256x1xf32>, vector<256x1xf32>, vector<256x1xf32>, vector<256x1xf32>, vector<256x1xf32>, vector<256x1xf32>, vector<256x1xf32>, vector<256x1xf32> -> vector<256x8xf32>
      %eq3A_60 = arith.constant 0 : i32
      %eq3A_61 = arith.cmpi eq, %arg1, %eq3A_60 : i32
      %convert_element_type3A_62 = arith.extui %eq3A_61 : i1 to i32
      %cond3A_63 = arith.constant 0 : i32
      %cond3A_64 = arith.cmpi ne, %convert_element_type3A_62, %cond3A_63 : i32
      scf.if %cond3A_64 {
        %swap3A_75 = arith.constant 0 : index
        %swap3A_76 = arith.constant 0 : index
        %swap3A_77 = vector.load %arg13[%swap3A_75, %swap3A_76] : memref<256x8xf32, #tpu.memory_space<vmem>>, vector<256x8xf32>
        tpu.vector_store %arg13[%swap3A_75, %swap3A_76], %concatenate3A {strides = array<i32>} : memref<256x8xf32, #tpu.memory_space<vmem>>, vector<256x8xf32>,
      } else {
      }
      %gt3A = arith.constant 0 : i32
      %gt3A_65 = arith.cmpi sgt, %arg1, %gt3A : i32
      %convert_element_type3A_66 = arith.extui %gt3A_65 : i1 to i32
      %cond3A_67 = arith.constant 0 : i32
      %cond3A_68 = arith.cmpi ne, %convert_element_type3A_66, %cond3A_67 : i32
      scf.if %cond3A_68 {
        %get3A_75 = arith.constant 0 : index
        %get3A_76 = arith.constant 0 : index
        %get3A_77 = vector.load %arg13[%get3A_75, %get3A_76] : memref<256x8xf32, #tpu.memory_space<vmem>>, vector<256x8xf32>
        %add3A_78 = arith.addf %get3A_77, %concatenate3A : vector<256x8xf32>
        %swap3A_79 = arith.constant 0 : index
        %swap3A_80 = arith.constant 0 : index
        %swap3A_81 = vector.load %arg13[%swap3A_79, %swap3A_80] : memref<256x8xf32, #tpu.memory_space<vmem>>, vector<256x8xf32>
        tpu.vector_store %arg13[%swap3A_79, %swap3A_80], %add3A_78 {strides = array<i32>} : memref<256x8xf32, #tpu.memory_space<vmem>>, vector<256x8xf32>,
      } else {
      }
      %swap3A_69 = arith.constant 0 : index
      %swap3A_70 = arith.constant 0 : index
      %swap3A_71 = arith.constant 0 : index
      %swap3A_72 = vector.load %arg11[%swap3A_69, %swap3A_70, %swap3A_71] : memref<1x256x2048xf32, #tpu.memory_space<vmem>>, vector<1x256x2048xf32>
      %swap3A_73 = vector.shape_cast %swap3A_72 : vector<1x256x2048xf32> to vector<256x2048xf32>
      %swap3A_74 = vector.shape_cast %get3A_10 : vector<256x2048xf32> to vector<1x256x2048xf32>
      tpu.vector_store %arg11[%swap3A_69, %swap3A_70, %swap3A_71], %swap3A_74 {strides = array<i32>} : memref<1x256x2048xf32, #tpu.memory_space<vmem>>, vector<1x256x2048xf32>,
    } else {
    }
    %eq3A_2 = arith.constant 1 : i32
    %eq3A_3 = arith.cmpi eq, %arg0, %eq3A_2 : i32
    %convert_element_type3A_4 = arith.extui %eq3A_3 : i1 to i32
    %cond3A_5 = arith.constant 0 : i32
    %cond3A_6 = arith.cmpi ne, %convert_element_type3A_4, %cond3A_5 : i32
    scf.if %cond3A_6 {
      %get3A = arith.constant 0 : index
      %get3A_7 = arith.constant 0 : index
      %get3A_8 = vector.load %arg13[%get3A, %get3A_7] : memref<256x8xf32, #tpu.memory_space<vmem>>, vector<256x8xf32>
      %slice3A = vector.extract_strided_slice %get3A_8 {offsets = [0, 0], sizes = [256, 1], strides = [1, 1]} : vector<256x8xf32> to vector<256x1xf32>
      %mul3A = arith.constant 1.22070313E-4 : f32
      %mul3A_9 = vector.broadcast %mul3A : f32 to vector<256x1xf32>
      %mul3A_10 = arith.mulf %slice3A, %mul3A_9 : vector<256x1xf32>
      %slice3A_11 = vector.extract_strided_slice %get3A_8 {offsets = [0, 1], sizes = [256, 1], strides = [1, 1]} : vector<256x8xf32> to vector<256x1xf32>
      %mul3A_12 = arith.constant 1.22070313E-4 : f32
      %mul3A_13 = vector.broadcast %mul3A_12 : f32 to vector<256x1xf32>
      %mul3A_14 = arith.mulf %slice3A_11, %mul3A_13 : vector<256x1xf32>
      %mul3A_15 = arith.mulf %mul3A_10, %mul3A_10 : vector<256x1xf32>
      %sub3A = arith.subf %mul3A_14, %mul3A_15 : vector<256x1xf32>
      %add3A = arith.constant 9.99999974E-6 : f32
      %add3A_16 = vector.broadcast %add3A : f32 to vector<256x1xf32>
      %add3A_17 = arith.addf %sub3A, %add3A_16 : vector<256x1xf32>
      %rsqrt3A = math.rsqrt %add3A_17 : vector<256x1xf32>
      %get3A_18 = arith.constant 0 : index
      %get3A_19 = arith.constant 0 : index
      %get3A_20 = vector.load %arg9[%get3A_18, %get3A_19] : memref<256x128xf32, #tpu.memory_space<vmem>>, vector<256x128xf32>
      %slice3A_21 = vector.extract_strided_slice %get3A_20 {offsets = [0, 0], sizes = [256, 1], strides = [1, 1]} : vector<256x128xf32> to vector<256x1xf32>
      %get3A_22 = arith.constant 0 : index
      %get3A_23 = arith.constant 0 : index
      %get3A_24 = vector.load %arg10[%get3A_22, %get3A_23] : memref<256x128xf32, #tpu.memory_space<vmem>>, vector<256x128xf32>
      %slice3A_25 = vector.extract_strided_slice %get3A_24 {offsets = [0, 0], sizes = [256, 1], strides = [1, 1]} : vector<256x128xf32> to vector<256x1xf32>
      %get3A_26 = arith.index_cast %arg1 : i32 to index
      %get3A_27 = arith.constant 0 : index
      %get3A_28 = arith.constant 0 : index
      %get3A_29 = vector.load %arg12[%get3A_26, %get3A_27, %get3A_28] : memref<4x256x2048xf32, #tpu.memory_space<vmem>>, vector<1x256x2048xf32>
      %get3A_30 = vector.shape_cast %get3A_29 : vector<1x256x2048xf32> to vector<256x2048xf32>
      %get3A_31 = arith.constant 0 : index
      %get3A_32 = arith.constant 0 : index
      %get3A_33 = arith.constant 0 : index
      %get3A_34 = vector.load %arg2[%get3A_31, %get3A_32, %get3A_33] : memref<1x256x2048xf32, #tpu.memory_space<vmem>>, vector<1x256x2048xf32>
      %get3A_35 = vector.shape_cast %get3A_34 : vector<1x256x2048xf32> to vector<256x2048xf32>
      %sub3A_36 = vector.broadcast %mul3A_10 : vector<256x1xf32> to vector<256x2048xf32>
      %sub3A_37 = arith.subf %get3A_30, %sub3A_36 : vector<256x2048xf32>
      %mul3A_38 = vector.broadcast %rsqrt3A : vector<256x1xf32> to vector<256x2048xf32>
      %mul3A_39 = arith.mulf %sub3A_37, %mul3A_38 : vector<256x2048xf32>
      %mul3A_40 = vector.broadcast %slice3A_21 : vector<256x1xf32> to vector<256x2048xf32>
      %mul3A_41 = arith.mulf %mul3A_40, %mul3A_39 : vector<256x2048xf32>
      %add3A_42 = vector.broadcast %slice3A_25 : vector<256x1xf32> to vector<256x2048xf32>
      %add3A_43 = arith.addf %mul3A_41, %add3A_42 : vector<256x2048xf32>
      %max3A = arith.constant 0.000000e+00 : f32
      %max3A_44 = vector.broadcast %max3A : f32 to vector<256x2048xf32>
      %max3A_45 = arith.maximumf %add3A_43, %max3A_44 : vector<256x2048xf32>
      %add3A_46 = arith.addf %get3A_35, %max3A_45 : vector<256x2048xf32>
      %swap3A = arith.constant 0 : index
      %swap3A_47 = arith.constant 0 : index
      %swap3A_48 = arith.constant 0 : index
      %swap3A_49 = vector.load %arg11[%swap3A, %swap3A_47, %swap3A_48] : memref<1x256x2048xf32, #tpu.memory_space<vmem>>, vector<1x256x2048xf32>
      %swap3A_50 = vector.shape_cast %swap3A_49 : vector<1x256x2048xf32> to vector<256x2048xf32>
      %swap3A_51 = vector.shape_cast %add3A_46 : vector<256x2048xf32> to vector<1x256x2048xf32>
      tpu.vector_store %arg11[%swap3A, %swap3A_47, %swap3A_48], %swap3A_51 {strides = array<i32>} : memref<1x256x2048xf32, #tpu.memory_space<vmem>>, vector<1x256x2048xf32>,
    } else {
    }
    return
  }
  func.func @transform_0(%arg0: i32, %arg1: i32) -> (i32, i32, i32) {
    %c0_i32 = arith.constant 0 : i32
    %c0_i32_0 = arith.constant 0 : i32
    %c0_i32_1 = arith.constant 0 : i32
    return %arg1, %c0_i32, %c0_i32_0 : i32, i32, i32
  }
  func.func @transform_1(%arg0: i32, %arg1: i32) -> (i32, i32, i32) {
    %sub3A = arith.constant 1 : i32
    %sub3A_0 = arith.subi %sub3A, %arg0 : i32
    %mul3A = arith.muli %sub3A_0, %arg1 : i32
    %mul3A_1 = arith.constant 3 : i32
    %mul3A_2 = arith.muli %arg0, %mul3A_1 : i32
    %add3A = arith.addi %mul3A, %mul3A_2 : i32
    %c0_i32 = arith.constant 0 : i32
    %c0_i32_3 = arith.constant 0 : i32
    %c0_i32_4 = arith.constant 0 : i32
    return %add3A, %c0_i32, %c0_i32_3 : i32, i32, i32
  }
  func.func @transform_2(%arg0: i32, %arg1: i32) -> (i32, i32, i32) {
    %sub3A = arith.constant 1 : i32
    %sub3A_0 = arith.subi %sub3A, %arg0 : i32
    %mul3A = arith.muli %sub3A_0, %arg1 : i32
    %mul3A_1 = arith.constant 3 : i32
    %mul3A_2 = arith.muli %arg0, %mul3A_1 : i32
    %add3A = arith.addi %mul3A, %mul3A_2 : i32
    %c0_i32 = arith.constant 0 : i32
    %c0_i32_3 = arith.constant 0 : i32
    %c0_i32_4 = arith.constant 0 : i32
    return %add3A, %c0_i32, %c0_i32_3 : i32, i32, i32
  }
  func.func @transform_3(%arg0: i32, %arg1: i32) -> (i32, i32) {
    %c0_i32 = arith.constant 0 : i32
    %c0_i32_0 = arith.constant 0 : i32
    %c0_i32_1 = arith.constant 0 : i32
    return %c0_i32, %c0_i32_0 : i32, i32
  }
  func.func @transform_4(%arg0: i32, %arg1: i32) -> (i32, i32) {
    %c0_i32 = arith.constant 0 : i32
    %c0_i32_0 = arith.constant 0 : i32
    %c0_i32_1 = arith.constant 0 : i32
    return %c0_i32, %c0_i32_0 : i32, i32
  }
  func.func @transform_5(%arg0: i32, %arg1: i32) -> (i32, i32) {
    %c0_i32 = arith.constant 0 : i32
    %c0_i32_0 = arith.constant 0 : i32
    %c0_i32_1 = arith.constant 0 : i32
    return %c0_i32, %c0_i32_0 : i32, i32
  }
  func.func @transform_6(%arg0: i32, %arg1: i32) -> (i32, i32) {
    %c0_i32 = arith.constant 0 : i32
    %c0_i32_0 = arith.constant 0 : i32
    %c0_i32_1 = arith.constant 0 : i32
    return %c0_i32, %c0_i32_0 : i32, i32
  }
  func.func @transform_7(%arg0: i32, %arg1: i32) -> (i32, i32) {
    %c0_i32 = arith.constant 0 : i32
    %c0_i32_0 = arith.constant 0 : i32
    %c0_i32_1 = arith.constant 0 : i32
    return %c0_i32, %c0_i32_0 : i32, i32
  }
  func.func @transform_8(%arg0: i32, %arg1: i32) -> (i32, i32) {
    %c0_i32 = arith.constant 0 : i32
    %c0_i32_0 = arith.constant 0 : i32
    %c0_i32_1 = arith.constant 0 : i32
    return %c0_i32, %c0_i32_0 : i32, i32
  }
  func.func @transform_9(%arg0: i32, %arg1: i32) -> (i32, i32, i32) {
    %c0_i32 = arith.constant 0 : i32
    %c0_i32_0 = arith.constant 0 : i32
    %c0_i32_1 = arith.constant 0 : i32
    return %arg1, %c0_i32, %c0_i32_0 : i32, i32, i32
  }
}

</mosaic_0001>

<sc_bundles>
// kernel: kernel.5.cloned.1.call-start
scs
__scs_entry_jumppad:
0x0: {  	(pc) =	sbr.rel $0x88, $3  }
0x1: {  	(tag) =	ssettag $0x0;
	lr =	simm.s32 $0x1  }
0x2: {  	[smem:$0x3F97] =	sst lr;
	_ =	strace $0xD0000000  }
0x3: {  	_ = 	snop  }
0x4: {  	_ = 	snop  }
0x5: {  	_ = 	snop  }
0x6: {  	_ = 	snop  }
0x7: {  	_ = 	snop  }
__scs_overlays_trampoline_lowered:
0x8: {  	[smem:$0x3FA6] =	sst s0  }
0x9: {  	[smem:$0x3FA7] =	sst s1  }
0xa: {  	[smem:$0x3FA8] =	sst s2  }
0xb: {  	[smem:$0x3FA9] =	sst s3  }
0xc: {  	[smem:$0x3FAA] =	sst s4  }
0xd: {  	[smem:$0x3FAB] =	sst s5  }
0xe: {  	[smem:$0x3FAC] =	sst s6  }
0xf: {  	[smem:$0x3FAD] =	sst s7  }
0x10: {  	[smem:$0x3FAE] =	sst s8  }
0x11: {  	[smem:$0x3FAF] =	sst s9;
	s0 =	simm.s32 @!p0 $0x0  }
0x12: {  	s1 =	sld [smem:$0x3F95];
	s0 =	simm.s32 @p0 $0x1  }
0x13: {  	[smem:$0x3FB0] =	sst s0;
	s0 =	simm.s32 @!p1 $0x0  }
0x14: {  	s2 =	sld [smem:$0x3F94];
	s0 =	simm.s32 @p1 $0x1  }
0x15: {  	[smem:$0x3FB1] =	sst s0;
	s0 =	simm.s32 @!p2 $0x0  }
0x16: {  	s3 =	sld [smem:$0x3FDB];
	s0 =	simm.s32 @p2 $0x1  }
0x17: {  	s4 =	simm.s32 $0x1BF5;
	[smem:$0x3FB3] =	sst s0  }
0x18: {  	s0 =	sld [smem:$0x3F96];
	_ =	swait.ge [sflag:s4], $0x0  }
0x19: {  	s7 =	sld [smem:$0x3F97]  }
0x1a: {  	s8 =	sadd.s32 $0xFFFFE003, lr  }
0x1b: {  	s9 =	sadd.s32 $0xFFFFFEF7, lr;
	s5 =	simm.s32 $0xFFFFFFFF;
	p2 =	slt.u32 s8, $0xFFFFF086  }
0x1c: {  	p1 =	slt.u32 s9, $0xF7A;
	s5 =	simm.s32 @!p2 $0x0  }
0x1d: {  	s5 =	simm.s32 @p1 $0x1;
	p0 =	seq.s32 s7, s2  }
0x1e: {  	s7 =	smul.u32 @!p0 $0xF7A, s2;
	p2 =	seq.s32 @!p0 s5, $0x0  }
0x1f: {  	s9 =	smul.u32 $0xF7A, s1;
	s8 =	simm.s32 @!p0 $0x1BF5;
	p2 =	por !p2, p0  }
0x20: {  	[sflag:s8] =	ssyncset.s32 @!p0 $0xFFFFF086;
	s6 =	sadd.s32 @!p0 s3, s7;
	s7 =	simm.s32 @!p0 $0x108  }
0x21: {  	s3 =	sadd.s32 s3, s9;
	s6 =	sadd.s32 @!p0 $0x88, s6;
	s7 =	simm.s32 @p2 $0x1082  }
0x22: {  	[simem:s7], [sflag:s8] =	dma.local @!p0 [hbm:s6], $0xF7A  }
0x23: {  	s9 =	sor.u32 $0xD0000000, s2;
	s6 =	simm.s32 $0x108;
	_ =	swait.ge @!p0 [sflag:s8], $0x0  }
0x24: {  	s3 =	sadd.s32 $0x88, s3;
	s6 =	simm.s32 @!p1 $0x1082;
	[sflag:s4] =	ssyncset.s32 $0xFFFFF086  }
0x25: {  	[simem:s6], [sflag:s4] =	dma.local [hbm:s3], $0xF7A  }
0x26: {  	[smem:$0x3F97] =	sst s1;
	(tag) =	ssettag s2;
	_ =	strace s9  }
0x27: {  	s1 =	sld [smem:$0x3FA7]  }
0x28: {  	s2 =	sld [smem:$0x3FA8]  }
0x29: {  	s4 =	sld [smem:$0x3FAA]  }
0x2a: {  	p0 =	seq.s32 s5, $0x0;
	s5 =	sld [smem:$0x3FAB]  }
0x2b: {  	s6 =	sld [smem:$0x3FAC]  }
0x2c: {  	s7 =	sld [smem:$0x3FAD]  }
0x2d: {  	s3 =	simm.s32 $0x108;
	s8 =	sld [smem:$0x3FAE]  }
0x2e: {  	s3 =	simm.s32 @!p0 $0x1082;
	s9 =	sld [smem:$0x3FAF]  }
0x2f: {  	lr =	sadd.s32 s0, s3;
	s0 =	sld [smem:$0x3FA6]  }
0x30: {  	s3 =	sld [smem:$0x3FA9]  }
0x31: {  	[smem:$0x3FB2] =	sst s10  }
0x32: {  	s10 =	sld [smem:$0x3FB0];
	_ =	sdelay $0x3  }
0x33: {  	p0 =	seq.s32 s10, $0x1;
	s10 =	sld [smem:$0x3FB2];
	_ =	sdelay $0x3  }
0x34: {  	[smem:$0x3FB2] =	sst s10  }
0x35: {  	s10 =	sld [smem:$0x3FB1];
	_ =	sdelay $0x3  }
0x36: {  	p1 =	seq.s32 s10, $0x1;
	s10 =	sld [smem:$0x3FB2];
	_ =	sdelay $0x3  }
0x37: {  	[smem:$0x3FB2] =	sst s10  }
0x38: {  	s10 =	sld [smem:$0x3FB3]  }
0x39: {  	_ = 	snop;
	(pc) =	sbr.ind lr, $3  }
0x3a: {  	_ = 	snop  }
0x3b: {  	_ = 	snop  }
0x3c: {  	p2 =	seq.s32 s10, $0x1;
	s10 =	sld [smem:$0x3FB2]  }
0x3d: {  	_ =	shalt  }
0x3e: {  	_ =	shalt  }
0x3f: {  	_ =	shalt  }
0x40: {  	_ =	shalt  }
0x41: {  	_ =	shalt  }
0x42: {  	_ =	shalt  }
0x43: {  	_ =	shalt  }
0x44: {  	_ =	shalt  }
0x45: {  	_ =	shalt  }
0x46: {  	_ =	shalt  }
0x47: {  	_ =	shalt  }
0x48: {  	_ =	shalt  }
0x49: {  	_ =	shalt  }
0x4a: {  	_ =	shalt  }
0x4b: {  	_ =	shalt  }
0x4c: {  	_ =	shalt  }
0x4d: {  	_ =	shalt  }
0x4e: {  	_ =	shalt  }
0x4f: {  	_ =	shalt  }
0x50: {  	_ =	shalt  }
0x51: {  	_ =	shalt  }
0x52: {  	_ =	shalt  }
0x53: {  	_ =	shalt  }
0x54: {  	_ =	shalt  }
0x55: {  	_ =	shalt  }
0x56: {  	_ =	shalt  }
0x57: {  	_ =	shalt  }
0x58: {  	_ =	shalt  }
0x59: {  	_ =	shalt  }
0x5a: {  	_ =	shalt  }
0x5b: {  	_ =	shalt  }
0x5c: {  	_ =	shalt  }
0x5d: {  	_ =	shalt  }
0x5e: {  	_ =	shalt  }
0x5f: {  	_ =	shalt  }
0x60: {  	_ =	shalt  }
0x61: {  	_ =	shalt  }
0x62: {  	_ =	shalt  }
0x63: {  	_ =	shalt  }
0x64: {  	_ =	shalt  }
0x65: {  	_ =	shalt  }
0x66: {  	_ =	shalt  }
0x67: {  	_ =	shalt  }
0x68: {  	_ =	shalt  }
0x69: {  	_ =	shalt  }
0x6a: {  	_ =	shalt  }
0x6b: {  	_ =	shalt  }
0x6c: {  	_ =	shalt  }
0x6d: {  	_ =	shalt  }
0x6e: {  	_ =	shalt  }
0x6f: {  	_ =	shalt  }
0x70: {  	_ =	shalt  }
0x71: {  	_ =	shalt  }
0x72: {  	_ =	shalt  }
0x73: {  	_ =	shalt  }
0x74: {  	_ =	shalt  }
0x75: {  	_ =	shalt  }
0x76: {  	_ =	shalt  }
0x77: {  	_ =	shalt  }
0x78: {  	_ =	shalt  }
0x79: {  	_ =	shalt  }
0x7a: {  	_ =	shalt  }
0x7b: {  	_ =	shalt  }
0x7c: {  	_ =	shalt  }
0x7d: {  	_ =	shalt  }
0x7e: {  	_ =	shalt  }
0x7f: {  	_ =	shalt  }
0x80: {  	_ =	shalt  }
0x81: {  	_ =	shalt  }
0x82: {  	_ =	shalt  }
0x83: {  	_ =	shalt  }
0x84: {  	_ =	shalt  }
0x85: {  	_ =	shalt  }
0x86: {  	_ =	shalt  }
0x87: {  	_ =	shalt  }
.Lfunc_end0:
.L_simem_size_0:
called_computation_lowered:
.L_overlay_start_0:
0x88: {  	s2 =	sld [smem:$0x3FD9]  }
0x89: {  	s3 =	sld [smem:$0x3FFE];
	_ =	sdelay $0x1  }
0x8a: {  	s1 =	srdreg.scid  }
0x8b: {  	s0 =	sand.u32 $0x1, s1  }
0x8c: {  	s17 =	sshll.u32 s0, $0xA;
	s2 =	sadd.s32 s3, s2  }
0x8d: {  	s2 =	sadd.s32 s2, s17  }
0x8e: {  	[smem:$0x3FBE] =	sst s2  }
0x8f: {  	_ = 	snop  }
0x90: {  	s2 =	sld [smem:$0x3FC7]  }
0x91: {  	s18 =	sld [smem:$0x3FD0];
	(tm) =	ssettm $0x1  }
0x92: {  	s4 =	sld [smem:$0x3FFB];
	_ =	sdelay $0x3  }
0x93: {  	_ =	strace s4  }
0x94: {  	s4 =	sld [smem:$0x3FFC];
	_ =	sdelay $0x3  }
0x95: {  	_ =	strace s4  }
0x96: {  	s4 =	sld [smem:$0x3FFD];
	_ =	sdelay $0x3  }
0x97: {  	_ =	strace s4  }
0x98: {  	_ =	strace $0x8FFFFFFF  }
0x99: {  	s19 =	sld [smem:$0x3FDB];
	_ =	sdelay $0x1  }
0x9a: {  	s5 =	simm.s32 $_scs_section_size  }
0x9b: {  	s6 =	simm.s32 $_size__tile_overlayer_lowered;
	s7 =	simm.s32 $_tile_overlayer_lowered  }
0x9c: {  	s22 =	simm.s32 $0x1BFF;
	s21 =	sshll.u32 s7, $0x1;
	s4 =	sadd.s32 s5, s19  }
0x9d: {  	s8 =	simm.s32 $0x0;
	s20 =	sshll.u32 s6, $0x1;
	s6 =	sadd.s32 s21, s4  }
0x9e: {  	[timem:s8], [sflag:s22] =	dma.local [hbm:s6], s20  }
0x9f: {  	_ =	swait.ge [sflag:s22], s20  }
0xa0: {  	s5 =	ssub.s32 $0x0, s20;
	[sflag:s22] =	ssyncset.done $0x0  }
0xa1: {  	[sflag:s22] =	ssyncadd.s32 s5;
	_ =	sdelay $0x1  }
0xa2: {  	s23 =	simm.s32 $0x1B8B  }
0xa3: {  	_ =	swait.ge [sflag:s23], $0x1  }
0xa4: {  	[sflag:s23] =	ssyncset.done $0x0  }
0xa5: {  	s25 =	simm.s32 $0x1B8E;
	s24 =	sld [smem:$0x3FFE];
	[sflag:s23] =	ssyncadd.s32 $0xFFFFFFFF  }
0xa6: {  	s26 =	simm.s32 $execute0_lowered;
	[smem:$0x3FD2] =	sst s25  }
0xa7: {  	s6 =	sshll.u32 s26, $0x1;
	_ =	strace $0x80000046;
	[dreg:$0x1] =	wrdreg $0xFFFFFFFF  }
0xa8: {  	s28 =	simm.s32 $_size_execute0_lowered;
	s4 =	sadd.s32 s4, s6;
	[dreg:$0x0] =	wrdreg $0x0  }
0xa9: {  	s6 =	sshll.u32 s28, $0x1;
	[dreg:$0x2] =	wrdreg s4  }
0xaa: {  	[dreg:$0x3] =	wrdreg s6  }
0xab: {  	[dreg:$0x4] =	wrdreg $0xC0  }
0xac: {  	_ =	task [dreg:s8], $0x5FFFF  }
0xad: {  	[dreg:$0x1] =	wrdreg $0xFFFFFFFF  }
0xae: {  	[dreg:$0x0] =	wrdreg $0x60  }
0xaf: {  	[dreg:$0x2] =	wrdreg s2  }
0xb0: {  	[dreg:$0x3] =	wrdreg s18  }
0xb1: {  	[dreg:$0x4] =	wrdreg s24  }
0xb2: {  	[dreg:$0x5] =	wrdreg $0x9  }
0xb3: {  	_ =	task.clear_ibuf [dreg:s8], $0x6FFFF;
	_ =	strace $0x90000046  }
0xb4: {  	s29 =	simm.s32 $0x9;
	_ =	strace $0x80000048  }
0xb5: {  	_ =	swait.ge [sflag:s29], $0x1  }
0xb6: {  	[sflag:s29] =	ssyncadd.s32 $0xFFFFFFFF  }
0xb7: {  	_ =	strace $0x90000048  }
0xb8: {  	_ =	sfence  }
0xb9: {  	s30 =	sld [smem:$0x0];
	_ =	sdelay $0x2  }
0xba: {  	s31 =	sshll.u32 s1, $0xD;
	s1 =	sshrl.u32 s1, $0x2  }
0xbb: {  	s3 =	sand.u32 $0x4000, s31;
	s1 =	sadd.s32 s1, s30  }
0xbc: {  	s0 =	sor.u32 s3, s0;
	s1 =	sshll.u32 s1, $0x11  }
0xbd: {  	s0 =	sor.u32 s1, s0  }
0xbe: {  	s0 =	sadd.s32 $0x8F2B, s0  }
0xbf: {  	[sflag:s0] =	ssyncadd.remote.s32 $0x1  }
0xc0: {  	_ =	sfence.sel $0xFFFF  }
0xc1: {  	[dreg:$0x0] =	wrdreg $0xFFFFFFFF;
	(pc) =	sbr.abs _section_cstart, $3  }
0xc2: {  	[dreg:$0x1] =	wrdreg $0xFFFFFFFF  }
0xc3: {  	_ =	task.clear_ibuf [dreg:s8], $0x2FFFF;
	_ =	strace $0x9FFFFFFF  }
0xc4: {  	(tm) =	ssettm $0x7FFFFFFF  }
0xc5: {  	_ =	shalt  }
tec
execute0_lowered:
.L_overlay_start_1:
0x0: {  	(tag) =	ssettag $0x1  }
0x1: {  	s6 =	rddreg [dreg:$0x0]  }
0x2: {  	s0 =	srdreg.scid;
	s7 =	rddreg [dreg:$0x1]  }
0x3: {  	s2 =	simm.s32 $0x1;
	s8 =	rddreg [dreg:$0x2];
	s17 =	simm.s32 $0x4200  }
0x4: {  	s18 =	simm.s32 $0x6200;
	s19 =	simm.s32 $0x8200;
	s20 =	simm.s32 $0x8480  }
0x5: {  	s21 =	simm.s32 $0x8700;
	s22 =	simm.s32 $0x8980;
	s4 =	sand.u32 $0x1, s0  }
0x6: {  	s23 =	simm.s32 $0x400;
	s0 =	stileid.u32;
	s1 =	sshll.u32 s4, $0x4  }
0x7: {  	s24 =	simm.s32 $0x0;
	s5 =	sand.u32 $0x7, s0;
	s1 =	sor.u32 s0, s1  }
0x8: {  	s14 =	ssub.s32 $0x2, s4;
	p1 =	sne.s32 s5, $0x0;
	p0 =	seq.s32 s1, $0x0  }
0x9: {  	s4 =	sadd.s32 $0x4400, s8;
	s16 =	sshrl.u32 s14, $0x1;
	p0 =	por !p1, !p0  }
0xa: {  	s5 =	sshll.u32 s5, $0x6;
	s3 =	sshrl.u32 s1, $0x3;
	p0 =	por !p0, !p0  }
0xb: {  	s14 =	ssub.s32 s14, s16;
	s16 =	simm.s32 $0x200;
	s2 =	simm.s32 @!p0 $0x0  }
0xc: {  	s14 =	smax.u32 s14, $0x1;
	s13 =	ssub.s32 s3, s2;
	s2 =	simm.s32 $0x0  }
0xd: {  	s9 =	sshrl.u32 s13, $0x2;
	s3 =	sshll.u32 s13, $0x7;
	[smem:$0x7FF] =	sst s2  }
0xe: {  	s13 =	sshll.u32 s13, $0x14;
	s10 =	sand.u32 $0x180, s3;
	s30 =	sshll.u32 s9, $0xF  }
0xf: {  	_ =	strace $0x80000047;
	s12 =	sshll.u32 s9, $0xB;
	s9 =	sshll.u32 s9, $0x10  }
0x10: {  	s11 =	sor.u32 s10, s30;
	s12 =	sor.u32 s10, s12;
	s31 =	sor.u32 s10, s9  }
.Ltmp0:
0x11: {  	s11 =	sshrl.u32 s11, $0x3;
	s12 =	sshrl.u32 s12, $0x3;
	(pc) =	sbr.rel .LBB2_1-.Ltmp0, $4  }
0x12: {  	s11 =	sadd.s32 s11, s8;
	s15 =	sadd.s32 s12, s8;
	s8 =	sshrl.u32 s31, $0x3  }
0x13: {  	s3 =	simm.s32 $0x1;
	s6 =	sadd.s32 s6, s12;
	s7 =	sadd.s32 s7, s8  }
0x14: {  	s8 =	sadd.s32 $0x1E00, s11;
	s9 =	sadd.s32 $0x3000, s11;
	s10 =	sadd.s32 $0x2E00, s15  }
0x15: {  	v0 =	vimm.f32 $0.0e+00;
	v1 =	vlaneseq.u32;
	v2 =	vmov s5;
	s11 =	sadd.s32 $0x4200, s15;
	s12 =	sadd.s32 $0x4000, s15;
	s15 =	simm.s32 $0x80  }
.LBB2_10:
0x16: {  	s24 =	sadd.s32 $0x1, s24  }
0x17: {  	p0 =	sne.s32 s24, s14  }
.Ltmp1:
0x18: {  	_ = 	snop;
	(pc) =	sbr.rel @!p0 .LBB2_11-.Ltmp1, $1  }
0x19: {  	_ =	sdelay $0x3  }
.LBB2_1:
0x1a: {  	[tilespmem:s2], [sflag:$0x1] =	stream.strided.gather [hbm4b:s6+s15], $0x200, s16, s15, $0x38;
	[tilespmem:$0x9180] =	vst v63  }
0x1b: {  	_ =	swait.ge [sflag:s3], $0x200  }
0x1c: {  	[sflag:s3] =	ssyncset.done $0x0  }
0x1d: {  	[sflag:s3] =	ssyncadd.s32 $0xFFFFFE00  }
0x1e: {  	[tilespmem:s16], [sflag:$0x1] =	stream.strided.gather [hbm4b:s7+s15], $0x4000, s16, s15, $0x38;
	[tilespmem:$0x9180] =	vst v63  }
0x1f: {  	_ =	swait.ge [sflag:s3], $0x4000  }
0x20: {  	[sflag:s3] =	ssyncset.done $0x0  }
0x21: {  	[sflag:s3] =	ssyncadd.s32 $0xFFFFC000  }
0x22: {  	[tilespmem:s17], [sflag:$0x1] =	stream.strided.gather [hbm4b:s8+s15], $0x2000, s16, s15, $0x38;
	[tilespmem:$0x9180] =	vst v63  }
0x23: {  	_ =	swait.ge [sflag:s3], $0x2000  }
0x24: {  	[sflag:s3] =	ssyncset.done $0x0  }
0x25: {  	[sflag:s3] =	ssyncadd.s32 $0xFFFFE000  }
0x26: {  	[tilespmem:s18], [sflag:$0x1] =	stream.strided.gather [hbm4b:s9+s15], $0x2000, s16, s15, $0x38;
	[tilespmem:$0x9180] =	vst v63  }
0x27: {  	_ =	swait.ge [sflag:s3], $0x2000  }
0x28: {  	[sflag:s3] =	ssyncset.done $0x0  }
0x29: {  	[sflag:s3] =	ssyncadd.s32 $0xFFFFE000  }
0x2a: {  	[tilespmem:s19], [sflag:$0x1] =	stream.strided.gather [hbm4b:s10+s15], $0x200, s16, s15, $0x38;
	[tilespmem:$0x9180] =	vst v63  }
0x2b: {  	_ =	swait.ge [sflag:s3], $0x200  }
0x2c: {  	[sflag:s3] =	ssyncset.done $0x0  }
0x2d: {  	[sflag:s3] =	ssyncadd.s32 $0xFFFFFE00  }
0x2e: {  	[tilespmem:s20], [sflag:$0x1] =	stream.strided.gather [hbm4b:s11+s15], $0x200, s16, s15, $0x38;
	[tilespmem:$0x9180] =	vst v63  }
0x2f: {  	_ =	swait.ge [sflag:s3], $0x200  }
0x30: {  	[sflag:s3] =	ssyncset.done $0x0  }
0x31: {  	[sflag:s3] =	ssyncadd.s32 $0xFFFFFE00  }
0x32: {  	[tilespmem:s21], [sflag:$0x1] =	stream.strided.gather [hbm4b:s12+s15], $0x200, s16, s15, $0x38;
	[tilespmem:$0x9180] =	vst v63  }
0x33: {  	_ =	swait.ge [sflag:s3], $0x200  }
0x34: {  	[sflag:s3] =	ssyncset.done $0x0  }
0x35: {  	s25 =	simm.s32 $0x0;
	[sflag:s3] =	ssyncadd.s32 $0xFFFFFE00  }
.LBB2_2:
0x36: {  	p0 =	sne.s32 s25, $0x1FC0  }
.Ltmp2:
0x37: {  	_ = 	snop;
	(pc) =	sbr.rel @p0 .LBB2_2-.Ltmp2, $3  }
0x38: {  	_ =	sdelay $0x1  }
0x39: {  	s26 =	sshra.s32 s25, $0x2  }
0x3a: {  	s25 =	sadd.s32 $0x40, s25;
	[tilespmem:s26+$0x8980] =	vst v0  }
.Ltmp3:
0x3b: {  	(pc) =	sbr.rel .LBB2_4-.Ltmp3, $2  }
0x3c: {  	_ =	sdelay $0x2  }
0x3d: {  	s25 =	simm.s32 $0x0  }
.LBB2_9:
0x3e: {  	s25 =	sadd.s32 $0x1, s25  }
0x3f: {  	p0 =	sne.s32 s25, $0x40  }
.Ltmp4:
0x40: {  	_ = 	snop;
	(pc) =	sbr.rel @!p0 .LBB2_10-.Ltmp4, $1  }
0x41: {  	_ =	sdelay $0x3  }
.LBB2_4:
0x42: {  	_ =	sdelay $0x3  }
0x43: {  	v3 =	vld.idx.msk [tilespmem:v2+s25+$0x8200 ss:$0x1], $0xffff;
	_ =	sdelay $0x4  }
0x44: {  	v4 =	vld.idx.msk [tilespmem:v2+s25+$0x8480 ss:$0x1], $0xffff;
	(v2sf) =	vpush v3, $0x0;
	_ =	sdelay $0x4  }
0x45: {  	(v2sf) =	vpush v4, $0x0;
	_ =	sdelay $0x9  }
0x46: {  	s26 =	spop (v2sf)  }
0x47: {  	p0 =	slt.s32 s26, $0x1  }
.Ltmp5:
0x48: {  	_ = 	snop;
	(pc) =	sbr.rel @p0 .LBB2_7-.Ltmp5, $3  }
0x49: {  	_ =	sdelay $0x1  }
0x4a: {  	s30 =	spop (v2sf)  }
0x4b: {  	s29 =	sadd.s32 s5, s25;
	s28 =	sadd.s32 $0x8700, s30  }
0x4c: {  	s30 =	sadd.s32 $0x8700, s30;
	s31 =	smov.u32 s26  }
.LBB2_6:
0x4d: {  	v3 =	vld [tilespmem:s30+$0x0];
	_ =	sdelay $0x4  }
0x4e: {  	(v2sf) =	vpush v3, $0x0;
	_ =	sdelay $0xe  }
0x4f: {  	s1 =	spop (v2sf)  }
0x50: {  	s1 =	sshll.u32 s1, $0x4  }
0x51: {  	v3 =	vor.u32 s1, v1;
	_ =	sdelay $0x4  }
0x52: {  	v4 =	vld.idx.msk [tilespmem:v3+s17+$0x0], $0xffff;
	_ =	sdelay $0x4  }
0x53: {  	v5 =	vshll.u32 v4, $0x5  }
0x54: {  	v5 =	vor.u32 v1, v5;
	_ =	sdelay $0x3  }
0x55: {  	v4 =	vld.idx.msk [tilespmem:v4+s2+$0x0], $0xffff  }
0x56: {  	v5 =	vld.idx.msk [tilespmem:v5+s16+$0x0], $0xffff;
	_ =	sdelay $0x1  }
0x57: {  	v3 =	vld.idx.msk [tilespmem:v3+s18+$0x0], $0xffff  }
0x58: {  	p1 =	sne.s32 s31, $0x1  }
.Ltmp6:
0x59: {  	_ = 	snop;
	(pc) =	sbr.rel @p1 .LBB2_6-.Ltmp6, $3  }
0x5a: {  	_ =	sdelay $0x1  }
0x5b: {  	[tilespmem:v4+s22+$0x0] =	vst.idx.msk $0xffff, v3  }
0x5c: {  	s30 =	sadd.s32 $0x1, s30;
	s31 =	sadd.s32 $0xFFFFFFFF, s31;
	[tilespmem:v5+s22+$0x0] =	vst.idx.msk $0xffff, v3  }
.LBB2_7:
0x5d: {  	s1 =	sshll.u32 s29, $0xB  }
0x5e: {  	s31 =	sshll.u32 s25, $0x7;
	s1 =	sand.u32 $0xFC000, s1  }
0x5f: {  	s29 =	sand.u32 $0x380, s31;
	s1 =	sor.u32 s13, s1  }
0x60: {  	s1 =	sor.u32 s29, s1  }
0x61: {  	s1 =	sshrl.u32 s1, $0x3  }
.Ltmp7:
0x62: {  	s1 =	sadd.s32 s4, s1;
	(pc) =	sbr.rel @p0 .LBB2_9-.Ltmp7, $4  }
0x63: {  	[hbm4b:s1+s15] =	stream.strided.scatter [tilespmem:s22], [sflag:$0x1], $0x800, s23, s15, $0x38;
	[tilespmem:$0x9180] =	vst v63  }
0x64: {  	_ =	swait.ge [sflag:s3], $0x800  }
0x65: {  	[sflag:s3] =	ssyncset.done $0x0  }
0x66: {  	[sflag:s3] =	ssyncadd.s32 $0xFFFFF800  }
.LBB2_8:
0x67: {  	v3 =	vld [tilespmem:s28+$0x0];
	_ =	sdelay $0x4  }
0x68: {  	(v2sf) =	vpush v3, $0x0;
	_ =	sdelay $0xe  }
0x69: {  	s1 =	spop (v2sf)  }
0x6a: {  	s1 =	sshll.u32 s1, $0x4  }
0x6b: {  	v3 =	vor.u32 s1, v1;
	_ =	sdelay $0x4  }
0x6c: {  	v3 =	vld.idx.msk [tilespmem:v3+s17+$0x0], $0xffff;
	_ =	sdelay $0x4  }
0x6d: {  	v4 =	vshll.u32 v3, $0x5  }
0x6e: {  	v4 =	vor.u32 v1, v4;
	_ =	sdelay $0x3  }
0x6f: {  	v3 =	vld.idx.msk [tilespmem:v3+s2+$0x0], $0xffff  }
0x70: {  	v4 =	vld.idx.msk [tilespmem:v4+s16+$0x0], $0xffff;
	_ =	sdelay $0x2  }
0x71: {  	p0 =	sne.s32 s26, $0x1  }
.Ltmp8:
0x72: {  	_ = 	snop;
	(pc) =	sbr.rel @p0 .LBB2_8-.Ltmp8, $3  }
0x73: {  	_ =	sdelay $0x1  }
0x74: {  	[tilespmem:v3+s22+$0x0] =	vst.idx.msk $0xffff, v0  }
0x75: {  	s28 =	sadd.s32 $0x1, s28;
	s26 =	sadd.s32 $0xFFFFFFFF, s26;
	[tilespmem:v4+s22+$0x0] =	vst.idx.msk $0xffff, v0  }
.Ltmp9:
0x76: {  	_ = 	snop;
	(pc) =	sbr.rel .LBB2_9-.Ltmp9, $1  }
0x77: {  	_ =	sdelay $0x3  }
.LBB2_11:
0x78: {  	_ =	sfence.sel $0x180000  }
0x79: {  	[bflag:$0x0] =	sbarrier.arrive $0xFFFF  }
0x7a: {  	_ =	strace $0x90000047  }
0x7b: {  	[bflag:$0x2] =	sbarrier.arrive $0xFFFF  }
0x7c: {  	p0 =	sne.s32 s0, $0x0;
	s0 =	rddreg [dreg:$0x3]  }
0x7d: {  	s0 =	sadd.s32 @!p0 $0x100000, s0  }
0x7e: {  	[sflag:s0] =	ssyncadd.tile.s32 @!p0 $0x1;
	_ =	shalt  }
.Lfunc_end2:
_tile_overlayer_lowered:
.L_overlay_start_2:
0x7f: {  	(tag) =	ssettag $0x2  }
0x80: {  	s0 =	rddreg [dreg:$0x0];
	s2 =	stileid.u32  }
0x81: {  	s1 =	rddreg [dreg:$0x1];
	p0 =	sne.s32 s2, $0x0  }
0x82: {  	s3 =	rddreg [dreg:$0x2];
	[bflag:$0x3] =	sbarrier.arrive $0xFFFF;
	s2 =	simm.s32 @!p0 $0x1C01  }
0x83: {  	[timem:s3], [sflag:s2] =	dma.local @!p0 [hbm:s0], s1  }
0x84: {  	s0 =	simm.s32 @!p0 $0x1  }
0x85: {  	_ =	swait.ge @!p0 [sflag:s0], s1  }
0x86: {  	s1 =	ssub.s32 @!p0 $0x0, s1;
	[sflag:s0] =	ssyncset.done @!p0 $0x0  }
0x87: {  	[sflag:s0] =	ssyncadd.s32 @!p0 s1  }
0x88: {  	[bflag:$0x3] =	sbarrier.arrive $0xFFFF  }
0x89: {  	_ =	shalt  }

</sc_bundles>
